<compile_context>
chip_gen: v7x
topology: tpu7x:2x2x1
jax: 0.10.2.dev20260603
libtpu: 0.0.44.dev20260713+nightly
codegen_flags: <defaults>
</compile_context>

<pallas_src>
import functools

import jax
import jax.numpy as jnp
from jax import lax
from jax.experimental import pallas as pl
from jax.experimental.pallas import tpu as pltpu
from jax.experimental.pallas import tpu_sc as plsc

N_NODES = 10000
N_EDGES = 320000
F = 128

NC = 2
NS = 16
NW = NC * NS
K = 128
TOTAL_CHUNKS = N_EDGES // K
BASE_CHUNKS = TOTAL_CHUNKS // NW
EXTRA = TOTAL_CHUNKS - BASE_CHUNKS * NW
N_PAD = 10240
ROWS_PER_TILE = N_PAD // NS
ZCOPY = ROWS_PER_TILE // K



def _linear_body(h_ref, norm_ref, w_ref, o_ref):
    o_ref[...] = norm_ref[...] * jnp.dot(
        h_ref[...], w_ref[...], preferred_element_type=jnp.float32)


def _tc_linear(h, norm, weight):
    blk = 2000
    grid = (N_NODES // blk,)
    return pl.pallas_call(
        _linear_body,
        grid=grid,
        in_specs=[
            pl.BlockSpec((blk, F), lambda i: (i, 0)),
            pl.BlockSpec((blk, 1), lambda i: (i, 0)),
            pl.BlockSpec((F, F), lambda i: (0, 0)),
        ],
        out_specs=pl.BlockSpec((blk, F), lambda i: (i, 0)),
        out_shape=jax.ShapeDtypeStruct((N_NODES, F), jnp.float32),
    )(h, norm, weight)



def _sc_body(x_hbm, edges_hbm, out_hbm,
             eidx, rows_v0, rows_v1, acc_sh, gsem0, gsem1, *dsems):
    c = lax.axis_index("c")
    s = lax.axis_index("s")
    wid = c * NS + s
    start = wid * BASE_CHUNKS + jnp.minimum(wid, EXTRA)
    count = BASE_CHUNKS + jnp.where(wid < EXTRA, 1, 0)

    zv = jnp.zeros((16,), jnp.float32)

    def zrow(r, carry):
        for l in range(F // 16):
            rows_v0[r, pl.ds(l * 16, 16)] = zv
        return carry

    lax.fori_loop(0, K, zrow, 0)
    for z in range(ZCOPY):
        pltpu.sync_copy(rows_v0, acc_sh.at[pl.ds(s * ROWS_PER_TILE + z * K, K)])
    plsc.subcore_barrier()

    rows = (rows_v0, rows_v1)
    gsems = (gsem0, gsem1)

    def idx_fetch(i, q):
        pltpu.async_copy(
            edges_hbm.at[:, pl.ds((start + i) * K, K)], eidx.at[q], dsems[q])

    def idx_wait(q):
        pltpu.make_async_copy(
            edges_hbm.at[:, pl.ds(0, K)], eidx.at[q], dsems[q]).wait()

    def gather(q, slot):
        pltpu.async_copy(x_hbm.at[eidx.at[q, 0]], rows[slot], gsems[slot])

    idx_fetch(0, 0)
    idx_fetch(1, 2)
    idx_fetch(2, 1)
    idx_fetch(3, 3)
    idx_wait(0)
    gather(0, 0)
    idx_wait(2)
    gather(2, 1)

    def chunk(i, slot, sub):
        q = slot * 2 + sub
        q2 = slot * 2 + (1 - sub)
        pltpu.make_async_copy(
            x_hbm.at[eidx.at[q, 0]], rows[slot], gsems[slot]).wait()
        pltpu.sync_copy(rows[slot], acc_sh.at[eidx.at[q, 1]], add=True)

        @pl.when(i + 4 < count)
        def _():
            idx_fetch(i + 4, q)

        @pl.when(i + 2 < count)
        def _():
            idx_wait(q2)
            gather(q2, slot)

    def pair(j, carry):
        i = 2 * j
        for p in (0, 1):
            @pl.when(j % 2 == p)
            def _():
                chunk(i, 0, p)
                chunk(i + 1, 1, p)
        return carry

    lax.fori_loop(0, count // 2, pair, 0)

    @pl.when(count % 2 == 1)
    def _():
        i = count - 1
        for p in (0, 1):
            @pl.when((i // 2) % 2 == p)
            def _():
                chunk(i, 0, p)
    plsc.subcore_barrier()

    pltpu.sync_copy(acc_sh.at[pl.ds(s * ROWS_PER_TILE, ROWS_PER_TILE)],
                    out_hbm.at[c, pl.ds(s * ROWS_PER_TILE, ROWS_PER_TILE)])


def _sc_aggregate(x, edges):
    mesh = plsc.VectorSubcoreMesh(
        core_axis_name="c", subcore_axis_name="s", num_cores=NC, num_subcores=NS)
    f = functools.partial(
        pl.kernel,
        out_type=jax.ShapeDtypeStruct((NC, N_PAD, F), jnp.float32),
        mesh=mesh,
        scratch_types=[
            pltpu.VMEM((4, 2, K), jnp.int32),
            pltpu.VMEM((K, F), jnp.float32),
            pltpu.VMEM((K, F), jnp.float32),
            pltpu.VMEM_SHARED((N_PAD, F), jnp.float32),
            pltpu.SemaphoreType.DMA,
            pltpu.SemaphoreType.DMA,
            pltpu.SemaphoreType.DMA,
            pltpu.SemaphoreType.DMA,
            pltpu.SemaphoreType.DMA,
            pltpu.SemaphoreType.DMA,
        ],
    )(_sc_body)
    return f(x, edges)



def _epilogue_body(p_ref, norm_ref, b_ref, o_ref):
    agg = p_ref[0] + p_ref[1]
    o_ref[...] = jnp.maximum(agg * norm_ref[...] + b_ref[...], 0.0)


def _tc_epilogue(partials, norm, bias2d):
    blk = 1000
    grid = (N_NODES // blk,)
    return pl.pallas_call(
        _epilogue_body,
        grid=grid,
        in_specs=[
            pl.BlockSpec((NC, blk, F), lambda i: (0, i, 0)),
            pl.BlockSpec((blk, 1), lambda i: (i, 0)),
            pl.BlockSpec((1, F), lambda i: (0, 0)),
        ],
        out_specs=pl.BlockSpec((blk, F), lambda i: (i, 0)),
        out_shape=jax.ShapeDtypeStruct((N_NODES, F), jnp.float32),
    )(partials, norm, bias2d)




def kernel(h, edge_index, norm, weight, bias):
    x = _tc_linear(h, norm, weight)
    partials = _sc_aggregate(x, edge_index)
    return _tc_epilogue(partials, norm, bias.reshape(1, F))

# --- scband reference (transcript-rebuilt; emitter-appended) ---
"""Pipeline reference for scband-gcnlayer3-79817672229558 (READ-ONLY COPY).

The authoritative reference and input builder live on the scoring server;
editing this copy changes nothing except your own understanding.
"""

import jax, jax.numpy as jnp
import numpy as np

N_NODES = 10000
N_EDGES = 320000
IN_FEATS = 128
OUT_FEATS = 128


def setup_inputs(seed: int = 0) -> dict:
    key = jax.random.key(seed)
    k1, k2, k3, k4, k5 = jax.random.split(key, 5)
    h = jax.random.normal(k1, (N_NODES, IN_FEATS), dtype=jnp.float32)
    edge_index = jax.random.randint(k2, (2, N_EDGES), 0, N_NODES, dtype=jnp.int64 if jax.config.jax_enable_x64 else jnp.int32).astype(jnp.int32)
    norm = jax.random.uniform(k3, (N_NODES, 1), dtype=jnp.float32)
    stdv = 1.0 / np.sqrt(OUT_FEATS)
    weight = jax.random.uniform(k4, (IN_FEATS, OUT_FEATS), dtype=jnp.float32, minval=-stdv, maxval=stdv)
    bias = jax.random.uniform(k5, (OUT_FEATS,), dtype=jnp.float32, minval=-stdv, maxval=stdv)
    return {"h": h, "edge_index": edge_index, "norm": norm, "weight": weight, "bias": bias}


def reference(h, edge_index, norm, weight, bias):
    # dropout p=0.0 -> identity (and reference is deterministic/eval mode)
    # g.ndata['h'] = norm * (h @ W)
    x = norm * jnp.dot(h, weight)
    # update_all(copy_u('h','m'), sum('m','h')): per-destination sum of source features
    src = edge_index[0]
    dst = edge_index[1]
    msgs = jnp.take(x, src, axis=0)
    agg = jax.ops.segment_sum(msgs, dst, num_segments=N_NODES)
    # h = agg * norm + bias
    out = agg * norm + bias
    # activation = relu
    out = jnp.maximum(out, 0.0)
    return out

if __name__ == "__main__":
    import jax
    _d = setup_inputs()
    print(jax.jit(kernel)(*tuple(_d.values())))

</pallas_src>

<mosaic_0001>
#map = affine_map<(d0, d1) -> (0, 0)>
#map1 = affine_map<(d0, d1) -> (0, 0, 0)>
module attributes {stable_mosaic.version = 14 : i64} {
  func.func @_sc_body(%arg0: i32, %arg1: i32, %arg2: memref<10000x128xf32, #tpu.memory_space<hbm>>, %arg3: memref<2x320000xi32, #tpu.memory_space<hbm>>, %arg4: memref<2x10240x128xf32, #tpu.memory_space<hbm>>, %arg5: memref<4x2x128xi32, #tpu.memory_space<vmem>>, %arg6: memref<128x128xf32, #tpu.memory_space<vmem>>, %arg7: memref<128x128xf32, #tpu.memory_space<vmem>>, %arg8: memref<10240x128xf32, #tpu.memory_space<vmem_shared>>, %arg9: memref<!tpu.dma_semaphore, #tpu.memory_space<semaphore_mem>>, %arg10: memref<!tpu.dma_semaphore, #tpu.memory_space<semaphore_mem>>, %arg11: memref<!tpu.dma_semaphore, #tpu.memory_space<semaphore_mem>>, %arg12: memref<!tpu.dma_semaphore, #tpu.memory_space<semaphore_mem>>, %arg13: memref<!tpu.dma_semaphore, #tpu.memory_space<semaphore_mem>>, %arg14: memref<!tpu.dma_semaphore, #tpu.memory_space<semaphore_mem>>) attributes {dimension_semantics = [#tpu.dimension_semantics<core_parallel>, #tpu.dimension_semantics<subcore_parallel>], iteration_bounds = array<i64: 2, 16>, scalar_prefetch = 0 : i64, scratch_operands = 10 : i64, tpu.core_type = #tpu.core_type<sc_vector_subcore>, window_params = [{transform_indices = #map}, {transform_indices = #map}, {transform_indices = #map1}]} {
    %mul3A = arith.constant 16 : i32
    %mul3A_0 = arith.muli %arg0, %mul3A : i32
    %add3A = arith.addi %mul3A_0, %arg1 : i32
    %mul3A_1 = arith.constant 78 : i32
    %mul3A_2 = arith.muli %add3A, %mul3A_1 : i32
    %min3A = arith.constant 4 : i32
    %min3A_3 = arith.minsi %add3A, %min3A : i32
    %add3A_4 = arith.addi %mul3A_2, %min3A_3 : i32
    %lt3A = arith.constant 4 : i32
    %lt3A_5 = arith.cmpi slt, %add3A, %lt3A : i32
    %jit3A = arith.constant 1 : i32
    %jit3A_6 = arith.constant 0 : i32
    %select_n3A = arith.select %lt3A_5, %jit3A, %jit3A_6 : i32
    %add3A_7 = arith.constant 78 : i32
    %add3A_8 = arith.addi %add3A_7, %select_n3A : i32
    %broadcast_in_dim3A = arith.constant 0.000000e+00 : f32
    %broadcast_in_dim3A_9 = vector.broadcast %broadcast_in_dim3A : f32 to vector<16xf32>
    %scan3A = arith.constant 0 : i32
    %scan3A_10 = arith.constant 0 : i32
    %scan3A_11 = arith.constant 128 : i32
    %scan3A_12 = arith.addi %scan3A_10, %scan3A_11 : i32
    %scan3A_13 = arith.constant 1 : i32
    scf.for %scan3A_197 = %scan3A_10 to %scan3A_12 step %scan3A_13  : i32 {
      %swap3A = arith.index_cast %scan3A_197 : i32 to index
      %swap3A_198 = arith.constant 0 : index
      %swap3A_199 = tpu.vector_load %arg6[%swap3A, %swap3A_198] {strides = array<i32>} : memref<128x128xf32, #tpu.memory_space<vmem>>, vector<1x16xf32>,
      %swap3A_200 = vector.shape_cast %swap3A_199 : vector<1x16xf32> to vector<16xf32>
      %swap3A_201 = vector.shape_cast %broadcast_in_dim3A_9 : vector<16xf32> to vector<1x16xf32>
      tpu.vector_store %arg6[%swap3A, %swap3A_198], %swap3A_201 {strides = array<i32>} : memref<128x128xf32, #tpu.memory_space<vmem>>, vector<1x16xf32>,
      %swap3A_202 = arith.index_cast %scan3A_197 : i32 to index
      %swap3A_203 = arith.constant 16 : index
      %swap3A_204 = tpu.vector_load %arg6[%swap3A_202, %swap3A_203] {strides = array<i32>} : memref<128x128xf32, #tpu.memory_space<vmem>>, vector<1x16xf32>,
      %swap3A_205 = vector.shape_cast %swap3A_204 : vector<1x16xf32> to vector<16xf32>
      %swap3A_206 = vector.shape_cast %broadcast_in_dim3A_9 : vector<16xf32> to vector<1x16xf32>
      tpu.vector_store %arg6[%swap3A_202, %swap3A_203], %swap3A_206 {strides = array<i32>} : memref<128x128xf32, #tpu.memory_space<vmem>>, vector<1x16xf32>,
      %swap3A_207 = arith.index_cast %scan3A_197 : i32 to index
      %swap3A_208 = arith.constant 32 : index
      %swap3A_209 = tpu.vector_load %arg6[%swap3A_207, %swap3A_208] {strides = array<i32>} : memref<128x128xf32, #tpu.memory_space<vmem>>, vector<1x16xf32>,
      %swap3A_210 = vector.shape_cast %swap3A_209 : vector<1x16xf32> to vector<16xf32>
      %swap3A_211 = vector.shape_cast %broadcast_in_dim3A_9 : vector<16xf32> to vector<1x16xf32>
      tpu.vector_store %arg6[%swap3A_207, %swap3A_208], %swap3A_211 {strides = array<i32>} : memref<128x128xf32, #tpu.memory_space<vmem>>, vector<1x16xf32>,
      %swap3A_212 = arith.index_cast %scan3A_197 : i32 to index
      %swap3A_213 = arith.constant 48 : index
      %swap3A_214 = tpu.vector_load %arg6[%swap3A_212, %swap3A_213] {strides = array<i32>} : memref<128x128xf32, #tpu.memory_space<vmem>>, vector<1x16xf32>,
      %swap3A_215 = vector.shape_cast %swap3A_214 : vector<1x16xf32> to vector<16xf32>
      %swap3A_216 = vector.shape_cast %broadcast_in_dim3A_9 : vector<16xf32> to vector<1x16xf32>
      tpu.vector_store %arg6[%swap3A_212, %swap3A_213], %swap3A_216 {strides = array<i32>} : memref<128x128xf32, #tpu.memory_space<vmem>>, vector<1x16xf32>,
      %swap3A_217 = arith.index_cast %scan3A_197 : i32 to index
      %swap3A_218 = arith.constant 64 : index
      %swap3A_219 = tpu.vector_load %arg6[%swap3A_217, %swap3A_218] {strides = array<i32>} : memref<128x128xf32, #tpu.memory_space<vmem>>, vector<1x16xf32>,
      %swap3A_220 = vector.shape_cast %swap3A_219 : vector<1x16xf32> to vector<16xf32>
      %swap3A_221 = vector.shape_cast %broadcast_in_dim3A_9 : vector<16xf32> to vector<1x16xf32>
      tpu.vector_store %arg6[%swap3A_217, %swap3A_218], %swap3A_221 {strides = array<i32>} : memref<128x128xf32, #tpu.memory_space<vmem>>, vector<1x16xf32>,
      %swap3A_222 = arith.index_cast %scan3A_197 : i32 to index
      %swap3A_223 = arith.constant 80 : index
      %swap3A_224 = tpu.vector_load %arg6[%swap3A_222, %swap3A_223] {strides = array<i32>} : memref<128x128xf32, #tpu.memory_space<vmem>>, vector<1x16xf32>,
      %swap3A_225 = vector.shape_cast %swap3A_224 : vector<1x16xf32> to vector<16xf32>
      %swap3A_226 = vector.shape_cast %broadcast_in_dim3A_9 : vector<16xf32> to vector<1x16xf32>
      tpu.vector_store %arg6[%swap3A_222, %swap3A_223], %swap3A_226 {strides = array<i32>} : memref<128x128xf32, #tpu.memory_space<vmem>>, vector<1x16xf32>,
      %swap3A_227 = arith.index_cast %scan3A_197 : i32 to index
      %swap3A_228 = arith.constant 96 : index
      %swap3A_229 = tpu.vector_load %arg6[%swap3A_227, %swap3A_228] {strides = array<i32>} : memref<128x128xf32, #tpu.memory_space<vmem>>, vector<1x16xf32>,
      %swap3A_230 = vector.shape_cast %swap3A_229 : vector<1x16xf32> to vector<16xf32>
      %swap3A_231 = vector.shape_cast %broadcast_in_dim3A_9 : vector<16xf32> to vector<1x16xf32>
      tpu.vector_store %arg6[%swap3A_227, %swap3A_228], %swap3A_231 {strides = array<i32>} : memref<128x128xf32, #tpu.memory_space<vmem>>, vector<1x16xf32>,
      %swap3A_232 = arith.index_cast %scan3A_197 : i32 to index
      %swap3A_233 = arith.constant 112 : index
      %swap3A_234 = tpu.vector_load %arg6[%swap3A_232, %swap3A_233] {strides = array<i32>} : memref<128x128xf32, #tpu.memory_space<vmem>>, vector<1x16xf32>,
      %swap3A_235 = vector.shape_cast %swap3A_234 : vector<1x16xf32> to vector<16xf32>
      %swap3A_236 = vector.shape_cast %broadcast_in_dim3A_9 : vector<16xf32> to vector<1x16xf32>
      tpu.vector_store %arg6[%swap3A_232, %swap3A_233], %swap3A_236 {strides = array<i32>} : memref<128x128xf32, #tpu.memory_space<vmem>>, vector<1x16xf32>,
    }
    %scan3A_14 = arith.constant 128 : i32
    %mul3A_15 = arith.constant 640 : i32
    %mul3A_16 = arith.muli %arg1, %mul3A_15 : i32
    %add3A_17 = arith.constant 0 : i32
    %add3A_18 = arith.addi %mul3A_16, %add3A_17 : i32
    "tpu.region"() ({
      %run_scoped3A = tpu.sem_alloc : memref<!tpu.dma_semaphore, #tpu.memory_space<semaphore_mem>>
      %dma_start3A_197 = arith.constant 0 : i32
      %dma_start3A_198 = tpu.memref_slice %arg8[%add3A_18, %dma_start3A_197] : memref<10240x128xf32, #tpu.memory_space<vmem_shared>> -> memref<128x128xf32, #tpu.memory_space<vmem_shared>>
      %dma_start3A_199 = arith.constant 0 : i32
      %dma_start3A_200 = tpu.memref_slice %arg8[%add3A_18, %dma_start3A_199] : memref<10240x128xf32, #tpu.memory_space<vmem_shared>> -> memref<128x128xf32, #tpu.memory_space<vmem_shared>>
      tpu.enqueue_dma source(%arg6 : memref<128x128xf32, #tpu.memory_space<vmem>>) target(%dma_start3A_200 : memref<128x128xf32, #tpu.memory_space<vmem_shared>>) target_semaphore(%run_scoped3A : memref<!tpu.dma_semaphore, #tpu.memory_space<semaphore_mem>>)
      %dma_wait3A_201 = arith.constant 0 : i32
      %dma_wait3A_202 = tpu.memref_slice %arg8[%add3A_18, %dma_wait3A_201] : memref<10240x128xf32, #tpu.memory_space<vmem_shared>> -> memref<128x128xf32, #tpu.memory_space<vmem_shared>>
      %dma_wait3A_203 = arith.constant 0 : i32
      %dma_wait3A_204 = tpu.memref_slice %arg8[%add3A_18, %dma_wait3A_203] : memref<10240x128xf32, #tpu.memory_space<vmem_shared>> -> memref<128x128xf32, #tpu.memory_space<vmem_shared>>
      tpu.wait_dma2 semaphore(%run_scoped3A : memref<!tpu.dma_semaphore, #tpu.memory_space<semaphore_mem>>) src(%arg6 : memref<128x128xf32, #tpu.memory_space<vmem>>) dst(%dma_wait3A_204 : memref<128x128xf32, #tpu.memory_space<vmem_shared>>)
      tpu.yield
    }) : () -> ()
    %mul3A_19 = arith.constant 640 : i32
    %mul3A_20 = arith.muli %arg1, %mul3A_19 : i32
    %add3A_21 = arith.constant 128 : i32
    %add3A_22 = arith.addi %mul3A_20, %add3A_21 : i32
    "tpu.region"() ({
      %run_scoped3A = tpu.sem_alloc : memref<!tpu.dma_semaphore, #tpu.memory_space<semaphore_mem>>
      %dma_start3A_197 = arith.constant 0 : i32
      %dma_start3A_198 = tpu.memref_slice %arg8[%add3A_22, %dma_start3A_197] : memref<10240x128xf32, #tpu.memory_space<vmem_shared>> -> memref<128x128xf32, #tpu.memory_space<vmem_shared>>
      %dma_start3A_199 = arith.constant 0 : i32
      %dma_start3A_200 = tpu.memref_slice %arg8[%add3A_22, %dma_start3A_199] : memref<10240x128xf32, #tpu.memory_space<vmem_shared>> -> memref<128x128xf32, #tpu.memory_space<vmem_shared>>
      tpu.enqueue_dma source(%arg6 : memref<128x128xf32, #tpu.memory_space<vmem>>) target(%dma_start3A_200 : memref<128x128xf32, #tpu.memory_space<vmem_shared>>) target_semaphore(%run_scoped3A : memref<!tpu.dma_semaphore, #tpu.memory_space<semaphore_mem>>)
      %dma_wait3A_201 = arith.constant 0 : i32
      %dma_wait3A_202 = tpu.memref_slice %arg8[%add3A_22, %dma_wait3A_201] : memref<10240x128xf32, #tpu.memory_space<vmem_shared>> -> memref<128x128xf32, #tpu.memory_space<vmem_shared>>
      %dma_wait3A_203 = arith.constant 0 : i32
      %dma_wait3A_204 = tpu.memref_slice %arg8[%add3A_22, %dma_wait3A_203] : memref<10240x128xf32, #tpu.memory_space<vmem_shared>> -> memref<128x128xf32, #tpu.memory_space<vmem_shared>>
      tpu.wait_dma2 semaphore(%run_scoped3A : memref<!tpu.dma_semaphore, #tpu.memory_space<semaphore_mem>>) src(%arg6 : memref<128x128xf32, #tpu.memory_space<vmem>>) dst(%dma_wait3A_204 : memref<128x128xf32, #tpu.memory_space<vmem_shared>>)
      tpu.yield
    }) : () -> ()
    %mul3A_23 = arith.constant 640 : i32
    %mul3A_24 = arith.muli %arg1, %mul3A_23 : i32
    %add3A_25 = arith.constant 256 : i32
    %add3A_26 = arith.addi %mul3A_24, %add3A_25 : i32
    "tpu.region"() ({
      %run_scoped3A = tpu.sem_alloc : memref<!tpu.dma_semaphore, #tpu.memory_space<semaphore_mem>>
      %dma_start3A_197 = arith.constant 0 : i32
      %dma_start3A_198 = tpu.memref_slice %arg8[%add3A_26, %dma_start3A_197] : memref<10240x128xf32, #tpu.memory_space<vmem_shared>> -> memref<128x128xf32, #tpu.memory_space<vmem_shared>>
      %dma_start3A_199 = arith.constant 0 : i32
      %dma_start3A_200 = tpu.memref_slice %arg8[%add3A_26, %dma_start3A_199] : memref<10240x128xf32, #tpu.memory_space<vmem_shared>> -> memref<128x128xf32, #tpu.memory_space<vmem_shared>>
      tpu.enqueue_dma source(%arg6 : memref<128x128xf32, #tpu.memory_space<vmem>>) target(%dma_start3A_200 : memref<128x128xf32, #tpu.memory_space<vmem_shared>>) target_semaphore(%run_scoped3A : memref<!tpu.dma_semaphore, #tpu.memory_space<semaphore_mem>>)
      %dma_wait3A_201 = arith.constant 0 : i32
      %dma_wait3A_202 = tpu.memref_slice %arg8[%add3A_26, %dma_wait3A_201] : memref<10240x128xf32, #tpu.memory_space<vmem_shared>> -> memref<128x128xf32, #tpu.memory_space<vmem_shared>>
      %dma_wait3A_203 = arith.constant 0 : i32
      %dma_wait3A_204 = tpu.memref_slice %arg8[%add3A_26, %dma_wait3A_203] : memref<10240x128xf32, #tpu.memory_space<vmem_shared>> -> memref<128x128xf32, #tpu.memory_space<vmem_shared>>
      tpu.wait_dma2 semaphore(%run_scoped3A : memref<!tpu.dma_semaphore, #tpu.memory_space<semaphore_mem>>) src(%arg6 : memref<128x128xf32, #tpu.memory_space<vmem>>) dst(%dma_wait3A_204 : memref<128x128xf32, #tpu.memory_space<vmem_shared>>)
      tpu.yield
    }) : () -> ()
    %mul3A_27 = arith.constant 640 : i32
    %mul3A_28 = arith.muli %arg1, %mul3A_27 : i32
    %add3A_29 = arith.constant 384 : i32
    %add3A_30 = arith.addi %mul3A_28, %add3A_29 : i32
    "tpu.region"() ({
      %run_scoped3A = tpu.sem_alloc : memref<!tpu.dma_semaphore, #tpu.memory_space<semaphore_mem>>
      %dma_start3A_197 = arith.constant 0 : i32
      %dma_start3A_198 = tpu.memref_slice %arg8[%add3A_30, %dma_start3A_197] : memref<10240x128xf32, #tpu.memory_space<vmem_shared>> -> memref<128x128xf32, #tpu.memory_space<vmem_shared>>
      %dma_start3A_199 = arith.constant 0 : i32
      %dma_start3A_200 = tpu.memref_slice %arg8[%add3A_30, %dma_start3A_199] : memref<10240x128xf32, #tpu.memory_space<vmem_shared>> -> memref<128x128xf32, #tpu.memory_space<vmem_shared>>
      tpu.enqueue_dma source(%arg6 : memref<128x128xf32, #tpu.memory_space<vmem>>) target(%dma_start3A_200 : memref<128x128xf32, #tpu.memory_space<vmem_shared>>) target_semaphore(%run_scoped3A : memref<!tpu.dma_semaphore, #tpu.memory_space<semaphore_mem>>)
      %dma_wait3A_201 = arith.constant 0 : i32
      %dma_wait3A_202 = tpu.memref_slice %arg8[%add3A_30, %dma_wait3A_201] : memref<10240x128xf32, #tpu.memory_space<vmem_shared>> -> memref<128x128xf32, #tpu.memory_space<vmem_shared>>
      %dma_wait3A_203 = arith.constant 0 : i32
      %dma_wait3A_204 = tpu.memref_slice %arg8[%add3A_30, %dma_wait3A_203] : memref<10240x128xf32, #tpu.memory_space<vmem_shared>> -> memref<128x128xf32, #tpu.memory_space<vmem_shared>>
      tpu.wait_dma2 semaphore(%run_scoped3A : memref<!tpu.dma_semaphore, #tpu.memory_space<semaphore_mem>>) src(%arg6 : memref<128x128xf32, #tpu.memory_space<vmem>>) dst(%dma_wait3A_204 : memref<128x128xf32, #tpu.memory_space<vmem_shared>>)
      tpu.yield
    }) : () -> ()
    %mul3A_31 = arith.constant 640 : i32
    %mul3A_32 = arith.muli %arg1, %mul3A_31 : i32
    %add3A_33 = arith.constant 512 : i32
    %add3A_34 = arith.addi %mul3A_32, %add3A_33 : i32
    "tpu.region"() ({
      %run_scoped3A = tpu.sem_alloc : memref<!tpu.dma_semaphore, #tpu.memory_space<semaphore_mem>>
      %dma_start3A_197 = arith.constant 0 : i32
      %dma_start3A_198 = tpu.memref_slice %arg8[%add3A_34, %dma_start3A_197] : memref<10240x128xf32, #tpu.memory_space<vmem_shared>> -> memref<128x128xf32, #tpu.memory_space<vmem_shared>>
      %dma_start3A_199 = arith.constant 0 : i32
      %dma_start3A_200 = tpu.memref_slice %arg8[%add3A_34, %dma_start3A_199] : memref<10240x128xf32, #tpu.memory_space<vmem_shared>> -> memref<128x128xf32, #tpu.memory_space<vmem_shared>>
      tpu.enqueue_dma source(%arg6 : memref<128x128xf32, #tpu.memory_space<vmem>>) target(%dma_start3A_200 : memref<128x128xf32, #tpu.memory_space<vmem_shared>>) target_semaphore(%run_scoped3A : memref<!tpu.dma_semaphore, #tpu.memory_space<semaphore_mem>>)
      %dma_wait3A_201 = arith.constant 0 : i32
      %dma_wait3A_202 = tpu.memref_slice %arg8[%add3A_34, %dma_wait3A_201] : memref<10240x128xf32, #tpu.memory_space<vmem_shared>> -> memref<128x128xf32, #tpu.memory_space<vmem_shared>>
      %dma_wait3A_203 = arith.constant 0 : i32
      %dma_wait3A_204 = tpu.memref_slice %arg8[%add3A_34, %dma_wait3A_203] : memref<10240x128xf32, #tpu.memory_space<vmem_shared>> -> memref<128x128xf32, #tpu.memory_space<vmem_shared>>
      tpu.wait_dma2 semaphore(%run_scoped3A : memref<!tpu.dma_semaphore, #tpu.memory_space<semaphore_mem>>) src(%arg6 : memref<128x128xf32, #tpu.memory_space<vmem>>) dst(%dma_wait3A_204 : memref<128x128xf32, #tpu.memory_space<vmem_shared>>)
      tpu.yield
    }) : () -> ()
    %barrier3A = arith.constant 0 : index
    tpu.barrier barrier_id(%barrier3A)
    %add3A_35 = arith.constant 0 : i32
    %add3A_36 = arith.addi %add3A_4, %add3A_35 : i32
    %mul3A_37 = arith.constant 128 : i32
    %mul3A_38 = arith.muli %add3A_36, %mul3A_37 : i32
    %dma_start3A = arith.constant 0 : i32
    %dma_start3A_39 = arith.constant 0 : i32
    %dma_start3A_40 = arith.constant 0 : i32
    %dma_start3A_41 = tpu.memref_slice %arg5[%dma_start3A, %dma_start3A_39, %dma_start3A_40] : memref<4x2x128xi32, #tpu.memory_space<vmem>> -> memref<1x2x128xi32, #tpu.memory_space<vmem>>
    %dma_start3A_42 = tpu.memref_squeeze %dma_start3A_41 : memref<1x2x128xi32, #tpu.memory_space<vmem>> -> memref<2x128xi32, #tpu.memory_space<vmem>>
    %dma_start3A_43 = arith.constant 0 : i32
    %dma_start3A_44 = tpu.memref_slice %arg3[%dma_start3A_43, %mul3A_38] : memref<2x320000xi32, #tpu.memory_space<hbm>> -> memref<2x128xi32, #tpu.memory_space<hbm>>
    %dma_start3A_45 = arith.constant 0 : i32
    %dma_start3A_46 = arith.constant 0 : i32
    %dma_start3A_47 = tpu.memref_slice %arg5[%dma_start3A, %dma_start3A_45, %dma_start3A_46] : memref<4x2x128xi32, #tpu.memory_space<vmem>> -> memref<1x2x128xi32, #tpu.memory_space<vmem>>
    %dma_start3A_48 = tpu.memref_squeeze %dma_start3A_47 : memref<1x2x128xi32, #tpu.memory_space<vmem>> -> memref<2x128xi32, #tpu.memory_space<vmem>>
    %dma_start3A_49 = arith.constant 0 : i32
    %dma_start3A_50 = tpu.memref_slice %arg3[%dma_start3A_49, %mul3A_38] : memref<2x320000xi32, #tpu.memory_space<hbm>> -> memref<2x128xi32, #tpu.memory_space<hbm>>
    tpu.enqueue_dma source(%dma_start3A_50 : memref<2x128xi32, #tpu.memory_space<hbm>>) target(%dma_start3A_48 : memref<2x128xi32, #tpu.memory_space<vmem>>) target_semaphore(%arg11 : memref<!tpu.dma_semaphore, #tpu.memory_space<semaphore_mem>>)
    %add3A_51 = arith.constant 1 : i32
    %add3A_52 = arith.addi %add3A_4, %add3A_51 : i32
    %mul3A_53 = arith.constant 128 : i32
    %mul3A_54 = arith.muli %add3A_52, %mul3A_53 : i32
    %dma_start3A_55 = arith.constant 2 : i32
    %dma_start3A_56 = arith.constant 0 : i32
    %dma_start3A_57 = arith.constant 0 : i32
    %dma_start3A_58 = tpu.memref_slice %arg5[%dma_start3A_55, %dma_start3A_56, %dma_start3A_57] : memref<4x2x128xi32, #tpu.memory_space<vmem>> -> memref<1x2x128xi32, #tpu.memory_space<vmem>>
    %dma_start3A_59 = tpu.memref_squeeze %dma_start3A_58 : memref<1x2x128xi32, #tpu.memory_space<vmem>> -> memref<2x128xi32, #tpu.memory_space<vmem>>
    %dma_start3A_60 = arith.constant 0 : i32
    %dma_start3A_61 = tpu.memref_slice %arg3[%dma_start3A_60, %mul3A_54] : memref<2x320000xi32, #tpu.memory_space<hbm>> -> memref<2x128xi32, #tpu.memory_space<hbm>>
    %dma_start3A_62 = arith.constant 0 : i32
    %dma_start3A_63 = arith.constant 0 : i32
    %dma_start3A_64 = tpu.memref_slice %arg5[%dma_start3A_55, %dma_start3A_62, %dma_start3A_63] : memref<4x2x128xi32, #tpu.memory_space<vmem>> -> memref<1x2x128xi32, #tpu.memory_space<vmem>>
    %dma_start3A_65 = tpu.memref_squeeze %dma_start3A_64 : memref<1x2x128xi32, #tpu.memory_space<vmem>> -> memref<2x128xi32, #tpu.memory_space<vmem>>
    %dma_start3A_66 = arith.constant 0 : i32
    %dma_start3A_67 = tpu.memref_slice %arg3[%dma_start3A_66, %mul3A_54] : memref<2x320000xi32, #tpu.memory_space<hbm>> -> memref<2x128xi32, #tpu.memory_space<hbm>>
    tpu.enqueue_dma source(%dma_start3A_67 : memref<2x128xi32, #tpu.memory_space<hbm>>) target(%dma_start3A_65 : memref<2x128xi32, #tpu.memory_space<vmem>>) target_semaphore(%arg13 : memref<!tpu.dma_semaphore, #tpu.memory_space<semaphore_mem>>)
    %add3A_68 = arith.constant 2 : i32
    %add3A_69 = arith.addi %add3A_4, %add3A_68 : i32
    %mul3A_70 = arith.constant 128 : i32
    %mul3A_71 = arith.muli %add3A_69, %mul3A_70 : i32
    %dma_start3A_72 = arith.constant 1 : i32
    %dma_start3A_73 = arith.constant 0 : i32
    %dma_start3A_74 = arith.constant 0 : i32
    %dma_start3A_75 = tpu.memref_slice %arg5[%dma_start3A_72, %dma_start3A_73, %dma_start3A_74] : memref<4x2x128xi32, #tpu.memory_space<vmem>> -> memref<1x2x128xi32, #tpu.memory_space<vmem>>
    %dma_start3A_76 = tpu.memref_squeeze %dma_start3A_75 : memref<1x2x128xi32, #tpu.memory_space<vmem>> -> memref<2x128xi32, #tpu.memory_space<vmem>>
    %dma_start3A_77 = arith.constant 0 : i32
    %dma_start3A_78 = tpu.memref_slice %arg3[%dma_start3A_77, %mul3A_71] : memref<2x320000xi32, #tpu.memory_space<hbm>> -> memref<2x128xi32, #tpu.memory_space<hbm>>
    %dma_start3A_79 = arith.constant 0 : i32
    %dma_start3A_80 = arith.constant 0 : i32
    %dma_start3A_81 = tpu.memref_slice %arg5[%dma_start3A_72, %dma_start3A_79, %dma_start3A_80] : memref<4x2x128xi32, #tpu.memory_space<vmem>> -> memref<1x2x128xi32, #tpu.memory_space<vmem>>
    %dma_start3A_82 = tpu.memref_squeeze %dma_start3A_81 : memref<1x2x128xi32, #tpu.memory_space<vmem>> -> memref<2x128xi32, #tpu.memory_space<vmem>>
    %dma_start3A_83 = arith.constant 0 : i32
    %dma_start3A_84 = tpu.memref_slice %arg3[%dma_start3A_83, %mul3A_71] : memref<2x320000xi32, #tpu.memory_space<hbm>> -> memref<2x128xi32, #tpu.memory_space<hbm>>
    tpu.enqueue_dma source(%dma_start3A_84 : memref<2x128xi32, #tpu.memory_space<hbm>>) target(%dma_start3A_82 : memref<2x128xi32, #tpu.memory_space<vmem>>) target_semaphore(%arg12 : memref<!tpu.dma_semaphore, #tpu.memory_space<semaphore_mem>>)
    %add3A_85 = arith.constant 3 : i32
    %add3A_86 = arith.addi %add3A_4, %add3A_85 : i32
    %mul3A_87 = arith.constant 128 : i32
    %mul3A_88 = arith.muli %add3A_86, %mul3A_87 : i32
    %dma_start3A_89 = arith.constant 3 : i32
    %dma_start3A_90 = arith.constant 0 : i32
    %dma_start3A_91 = arith.constant 0 : i32
    %dma_start3A_92 = tpu.memref_slice %arg5[%dma_start3A_89, %dma_start3A_90, %dma_start3A_91] : memref<4x2x128xi32, #tpu.memory_space<vmem>> -> memref<1x2x128xi32, #tpu.memory_space<vmem>>
    %dma_start3A_93 = tpu.memref_squeeze %dma_start3A_92 : memref<1x2x128xi32, #tpu.memory_space<vmem>> -> memref<2x128xi32, #tpu.memory_space<vmem>>
    %dma_start3A_94 = arith.constant 0 : i32
    %dma_start3A_95 = tpu.memref_slice %arg3[%dma_start3A_94, %mul3A_88] : memref<2x320000xi32, #tpu.memory_space<hbm>> -> memref<2x128xi32, #tpu.memory_space<hbm>>
    %dma_start3A_96 = arith.constant 0 : i32
    %dma_start3A_97 = arith.constant 0 : i32
    %dma_start3A_98 = tpu.memref_slice %arg5[%dma_start3A_89, %dma_start3A_96, %dma_start3A_97] : memref<4x2x128xi32, #tpu.memory_space<vmem>> -> memref<1x2x128xi32, #tpu.memory_space<vmem>>
    %dma_start3A_99 = tpu.memref_squeeze %dma_start3A_98 : memref<1x2x128xi32, #tpu.memory_space<vmem>> -> memref<2x128xi32, #tpu.memory_space<vmem>>
    %dma_start3A_100 = arith.constant 0 : i32
    %dma_start3A_101 = tpu.memref_slice %arg3[%dma_start3A_100, %mul3A_88] : memref<2x320000xi32, #tpu.memory_space<hbm>> -> memref<2x128xi32, #tpu.memory_space<hbm>>
    tpu.enqueue_dma source(%dma_start3A_101 : memref<2x128xi32, #tpu.memory_space<hbm>>) target(%dma_start3A_99 : memref<2x128xi32, #tpu.memory_space<vmem>>) target_semaphore(%arg14 : memref<!tpu.dma_semaphore, #tpu.memory_space<semaphore_mem>>)
    %dma_wait3A = arith.constant 0 : i32
    %dma_wait3A_102 = arith.constant 0 : i32
    %dma_wait3A_103 = arith.constant 0 : i32
    %dma_wait3A_104 = tpu.memref_slice %arg5[%dma_wait3A, %dma_wait3A_102, %dma_wait3A_103] : memref<4x2x128xi32, #tpu.memory_space<vmem>> -> memref<1x2x128xi32, #tpu.memory_space<vmem>>
    %dma_wait3A_105 = tpu.memref_squeeze %dma_wait3A_104 : memref<1x2x128xi32, #tpu.memory_space<vmem>> -> memref<2x128xi32, #tpu.memory_space<vmem>>
    %dma_wait3A_106 = arith.constant 0 : i32
    %dma_wait3A_107 = arith.constant 0 : i32
    %dma_wait3A_108 = tpu.memref_slice %arg3[%dma_wait3A_106, %dma_wait3A_107] : memref<2x320000xi32, #tpu.memory_space<hbm>> -> memref<2x128xi32, #tpu.memory_space<hbm>>
    %dma_wait3A_109 = arith.constant 0 : i32
    %dma_wait3A_110 = arith.constant 0 : i32
    %dma_wait3A_111 = tpu.memref_slice %arg5[%dma_wait3A, %dma_wait3A_109, %dma_wait3A_110] : memref<4x2x128xi32, #tpu.memory_space<vmem>> -> memref<1x2x128xi32, #tpu.memory_space<vmem>>
    %dma_wait3A_112 = tpu.memref_squeeze %dma_wait3A_111 : memref<1x2x128xi32, #tpu.memory_space<vmem>> -> memref<2x128xi32, #tpu.memory_space<vmem>>
    %dma_wait3A_113 = arith.constant 0 : i32
    %dma_wait3A_114 = arith.constant 0 : i32
    %dma_wait3A_115 = tpu.memref_slice %arg3[%dma_wait3A_113, %dma_wait3A_114] : memref<2x320000xi32, #tpu.memory_space<hbm>> -> memref<2x128xi32, #tpu.memory_space<hbm>>
    tpu.wait_dma2 semaphore(%arg11 : memref<!tpu.dma_semaphore, #tpu.memory_space<semaphore_mem>>) src(%dma_wait3A_115 : memref<2x128xi32, #tpu.memory_space<hbm>>) dst(%dma_wait3A_112 : memref<2x128xi32, #tpu.memory_space<vmem>>)
    %dma_start3A_116 = arith.constant 0 : i32
    %dma_start3A_117 = arith.constant 0 : i32
    %dma_start3A_118 = arith.constant 0 : i32
    %dma_start3A_119 = tpu.memref_slice %arg5[%dma_start3A_116, %dma_start3A_117, %dma_start3A_118] : memref<4x2x128xi32, #tpu.memory_space<vmem>> -> memref<1x1x128xi32, #tpu.memory_space<vmem>>
    %dma_start3A_120 = tpu.memref_squeeze %dma_start3A_119 : memref<1x1x128xi32, #tpu.memory_space<vmem>> -> memref<128xi32, #tpu.memory_space<vmem>>
    %dma_start3A_121 = arith.constant 0 : i32
    %dma_start3A_122 = arith.constant 0 : i32
    %dma_start3A_123 = tpu.memref_slice %arg2[%dma_start3A_121, %dma_start3A_122] : memref<10000x128xf32, #tpu.memory_space<hbm>> -> memref<10000x128xf32, #tpu.memory_space<hbm>>
    tpu.enqueue_indirect_dma source(%dma_start3A_123 : memref<10000x128xf32, #tpu.memory_space<hbm>>) target(%arg6 : memref<128x128xf32, #tpu.memory_space<vmem>>) offsets(%dma_start3A_120 : memref<128xi32, #tpu.memory_space<vmem>>) semaphore(%arg9 : memref<!tpu.dma_semaphore, #tpu.memory_space<semaphore_mem>>)
    %dma_wait3A_124 = arith.constant 2 : i32
    %dma_wait3A_125 = arith.constant 0 : i32
    %dma_wait3A_126 = arith.constant 0 : i32
    %dma_wait3A_127 = tpu.memref_slice %arg5[%dma_wait3A_124, %dma_wait3A_125, %dma_wait3A_126] : memref<4x2x128xi32, #tpu.memory_space<vmem>> -> memref<1x2x128xi32, #tpu.memory_space<vmem>>
    %dma_wait3A_128 = tpu.memref_squeeze %dma_wait3A_127 : memref<1x2x128xi32, #tpu.memory_space<vmem>> -> memref<2x128xi32, #tpu.memory_space<vmem>>
    %dma_wait3A_129 = arith.constant 0 : i32
    %dma_wait3A_130 = arith.constant 0 : i32
    %dma_wait3A_131 = tpu.memref_slice %arg3[%dma_wait3A_129, %dma_wait3A_130] : memref<2x320000xi32, #tpu.memory_space<hbm>> -> memref<2x128xi32, #tpu.memory_space<hbm>>
    %dma_wait3A_132 = arith.constant 0 : i32
    %dma_wait3A_133 = arith.constant 0 : i32
    %dma_wait3A_134 = tpu.memref_slice %arg5[%dma_wait3A_124, %dma_wait3A_132, %dma_wait3A_133] : memref<4x2x128xi32, #tpu.memory_space<vmem>> -> memref<1x2x128xi32, #tpu.memory_space<vmem>>
    %dma_wait3A_135 = tpu.memref_squeeze %dma_wait3A_134 : memref<1x2x128xi32, #tpu.memory_space<vmem>> -> memref<2x128xi32, #tpu.memory_space<vmem>>
    %dma_wait3A_136 = arith.constant 0 : i32
    %dma_wait3A_137 = arith.constant 0 : i32
    %dma_wait3A_138 = tpu.memref_slice %arg3[%dma_wait3A_136, %dma_wait3A_137] : memref<2x320000xi32, #tpu.memory_space<hbm>> -> memref<2x128xi32, #tpu.memory_space<hbm>>
    tpu.wait_dma2 semaphore(%arg13 : memref<!tpu.dma_semaphore, #tpu.memory_space<semaphore_mem>>) src(%dma_wait3A_138 : memref<2x128xi32, #tpu.memory_space<hbm>>) dst(%dma_wait3A_135 : memref<2x128xi32, #tpu.memory_space<vmem>>)
    %dma_start3A_139 = arith.constant 2 : i32
    %dma_start3A_140 = arith.constant 0 : i32
    %dma_start3A_141 = arith.constant 0 : i32
    %dma_start3A_142 = tpu.memref_slice %arg5[%dma_start3A_139, %dma_start3A_140, %dma_start3A_141] : memref<4x2x128xi32, #tpu.memory_space<vmem>> -> memref<1x1x128xi32, #tpu.memory_space<vmem>>
    %dma_start3A_143 = tpu.memref_squeeze %dma_start3A_142 : memref<1x1x128xi32, #tpu.memory_space<vmem>> -> memref<128xi32, #tpu.memory_space<vmem>>
    %dma_start3A_144 = arith.constant 0 : i32
    %dma_start3A_145 = arith.constant 0 : i32
    %dma_start3A_146 = tpu.memref_slice %arg2[%dma_start3A_144, %dma_start3A_145] : memref<10000x128xf32, #tpu.memory_space<hbm>> -> memref<10000x128xf32, #tpu.memory_space<hbm>>
    tpu.enqueue_indirect_dma source(%dma_start3A_146 : memref<10000x128xf32, #tpu.memory_space<hbm>>) target(%arg7 : memref<128x128xf32, #tpu.memory_space<vmem>>) offsets(%dma_start3A_143 : memref<128xi32, #tpu.memory_space<vmem>>) semaphore(%arg10 : memref<!tpu.dma_semaphore, #tpu.memory_space<semaphore_mem>>)
    %jit3A_147 = arith.constant 2 : i32
    %div3A = arith.divsi %add3A_8, %jit3A_147 : i32
    %sign3A = arith.constant 0 : i32
    %sign3A_148 = arith.cmpi sgt, %add3A_8, %sign3A : i32
    %sign3A_149 = arith.extui %sign3A_148 : i1 to i32
    %sign3A_150 = arith.constant 0 : i32
    %sign3A_151 = arith.cmpi slt, %add3A_8, %sign3A_150 : i32
    %sign3A_152 = arith.extui %sign3A_151 : i1 to i32
    %sign3A_153 = arith.subi %sign3A_149, %sign3A_152 : i32
    %sign3A_154 = arith.constant 0 : i32
    %sign3A_155 = arith.cmpi sgt, %jit3A_147, %sign3A_154 : i32
    %sign3A_156 = arith.extui %sign3A_155 : i1 to i32
    %sign3A_157 = arith.constant 0 : i32
    %sign3A_158 = arith.cmpi slt, %jit3A_147, %sign3A_157 : i32
    %sign3A_159 = arith.extui %sign3A_158 : i1 to i32
    %sign3A_160 = arith.subi %sign3A_156, %sign3A_159 : i32
    %ne3A = arith.cmpi ne, %sign3A_153, %sign3A_160 : i32
    %rem3A = arith.remsi %add3A_8, %jit3A_147 : i32
    %ne3A_161 = arith.constant 0 : i32
    %ne3A_162 = arith.cmpi ne, %rem3A, %ne3A_161 : i32
    %and3A = arith.andi %ne3A, %ne3A_162 : i1
    %sub3A = arith.constant 1 : i32
    %sub3A_163 = arith.subi %div3A, %sub3A : i32
    %select_n3A_164 = arith.select %and3A, %sub3A_163, %div3A : i32
    %while3A = arith.constant 0 : i32
    %while3A_165 = arith.constant 0 : i32
    %while3A_166 = arith.subi %select_n3A_164, %while3A_165 : i32
    %while3A_167 = arith.addi %while3A_165, %while3A_166 : i32
    %while3A_168 = arith.constant 1 : i32
    %while3A_169 = arith.divsi %while3A_166, %while3A_168 : i32
    %while3A_170 = arith.muli %while3A_169, %while3A_168 : i32
    %while3A_171 = arith.addi %while3A_165, %while3A_170 : i32
    %while3A_172 = arith.constant 1 : i32
    scf.for %while3A_197 = %while3A_165 to %while3A_171 step %while3A_172  : i32 {
      %mul3A_198 = arith.constant 2 : i32
      %mul3A_199 = arith.muli %mul3A_198, %while3A_197 : i32
      %jit3A_200 = arith.constant 2 : i32
      %eq3A_201 = arith.constant 0 : i32
      %eq3A_202 = arith.cmpi eq, %jit3A_200, %eq3A_201 : i32
      %jit3A_203 = arith.constant 1 : i32
      %select_n3A_204 = arith.select %eq3A_202, %jit3A_203, %jit3A_200 : i32
      %rem3A_205 = arith.remsi %while3A_197, %select_n3A_204 : i32
      %ne3A_206 = arith.constant 0 : i32
      %ne3A_207 = arith.cmpi ne, %rem3A_205, %ne3A_206 : i32
      %lt3A_208 = arith.constant 0 : i32
      %lt3A_209 = arith.cmpi slt, %rem3A_205, %lt3A_208 : i32
      %lt3A_210 = arith.constant 0 : i32
      %lt3A_211 = arith.cmpi slt, %select_n3A_204, %lt3A_210 : i32
      %ne3A_212 = arith.xori %lt3A_209, %lt3A_211 : i1
      %and3A_213 = arith.andi %ne3A_212, %ne3A_207 : i1
      %add3A_214 = arith.addi %rem3A_205, %select_n3A_204 : i32
      %select_n3A_215 = arith.select %and3A_213, %add3A_214, %rem3A_205 : i32
      %eq3A_216 = arith.constant 0 : i32
      %eq3A_217 = arith.cmpi eq, %select_n3A_215, %eq3A_216 : i32
      %convert_element_type3A_218 = arith.extui %eq3A_217 : i1 to i32
      %cond3A_219 = arith.constant 0 : i32
      %cond3A_220 = arith.cmpi ne, %convert_element_type3A_218, %cond3A_219 : i32
      scf.if %cond3A_220 {
        %dma_wait3A_242 = arith.constant 0 : i32
        %dma_wait3A_243 = arith.constant 0 : i32
        %dma_wait3A_244 = arith.constant 0 : i32
        %dma_wait3A_245 = tpu.memref_slice %arg5[%dma_wait3A_242, %dma_wait3A_243, %dma_wait3A_244] : memref<4x2x128xi32, #tpu.memory_space<vmem>> -> memref<1x1x128xi32, #tpu.memory_space<vmem>>
        %dma_wait3A_246 = tpu.memref_squeeze %dma_wait3A_245 : memref<1x1x128xi32, #tpu.memory_space<vmem>> -> memref<128xi32, #tpu.memory_space<vmem>>
        %dma_wait3A_247 = arith.constant 0 : i32
        %dma_wait3A_248 = arith.constant 0 : i32
        %dma_wait3A_249 = tpu.memref_slice %arg2[%dma_wait3A_247, %dma_wait3A_248] : memref<10000x128xf32, #tpu.memory_space<hbm>> -> memref<10000x128xf32, #tpu.memory_space<hbm>>
        tpu.wait_indirect_dma semaphore(%arg9 : memref<!tpu.dma_semaphore, #tpu.memory_space<semaphore_mem>>) src(%dma_wait3A_249 : memref<10000x128xf32, #tpu.memory_space<hbm>>) dst(%arg6 : memref<128x128xf32, #tpu.memory_space<vmem>>)
        %run_scoped3A = arith.constant 0 : i32
        %run_scoped3A_250 = arith.constant 1 : i32
        "tpu.region"() ({
          %run_scoped3A_287 = tpu.sem_alloc : memref<!tpu.dma_semaphore, #tpu.memory_space<semaphore_mem>>
          %dma_start3A_288 = arith.constant 0 : i32
          %dma_start3A_289 = tpu.memref_slice %arg5[%run_scoped3A, %run_scoped3A_250, %dma_start3A_288] : memref<4x2x128xi32, #tpu.memory_space<vmem>> -> memref<1x1x128xi32, #tpu.memory_space<vmem>>
          %dma_start3A_290 = tpu.memref_squeeze %dma_start3A_289 : memref<1x1x128xi32, #tpu.memory_space<vmem>> -> memref<128xi32, #tpu.memory_space<vmem>>
          %dma_start3A_291 = arith.constant 0 : i32
          %dma_start3A_292 = arith.constant 0 : i32
          %dma_start3A_293 = tpu.memref_slice %arg8[%dma_start3A_291, %dma_start3A_292] : memref<10240x128xf32, #tpu.memory_space<vmem_shared>> -> memref<10240x128xf32, #tpu.memory_space<vmem_shared>>
          tpu.enqueue_indirect_dma source(%arg6 : memref<128x128xf32, #tpu.memory_space<vmem>>) target(%dma_start3A_293 : memref<10240x128xf32, #tpu.memory_space<vmem_shared>>) offsets(%dma_start3A_290 : memref<128xi32, #tpu.memory_space<vmem>>) semaphore(%run_scoped3A_287 : memref<!tpu.dma_semaphore, #tpu.memory_space<semaphore_mem>>) {add = true}
          %dma_wait3A_294 = arith.constant 0 : i32
          %dma_wait3A_295 = tpu.memref_slice %arg5[%run_scoped3A, %run_scoped3A_250, %dma_wait3A_294] : memref<4x2x128xi32, #tpu.memory_space<vmem>> -> memref<1x1x128xi32, #tpu.memory_space<vmem>>
          %dma_wait3A_296 = tpu.memref_squeeze %dma_wait3A_295 : memref<1x1x128xi32, #tpu.memory_space<vmem>> -> memref<128xi32, #tpu.memory_space<vmem>>
          %dma_wait3A_297 = arith.constant 0 : i32
          %dma_wait3A_298 = arith.constant 0 : i32
          %dma_wait3A_299 = tpu.memref_slice %arg8[%dma_wait3A_297, %dma_wait3A_298] : memref<10240x128xf32, #tpu.memory_space<vmem_shared>> -> memref<10240x128xf32, #tpu.memory_space<vmem_shared>>
          tpu.wait_indirect_dma semaphore(%run_scoped3A_287 : memref<!tpu.dma_semaphore, #tpu.memory_space<semaphore_mem>>) src(%arg6 : memref<128x128xf32, #tpu.memory_space<vmem>>) dst(%dma_wait3A_299 : memref<10240x128xf32, #tpu.memory_space<vmem_shared>>)
          tpu.yield
        }) : () -> ()
        %add3A_251 = arith.constant 4 : i32
        %add3A_252 = arith.addi %mul3A_199, %add3A_251 : i32
        %lt3A_253 = arith.cmpi slt, %add3A_252, %add3A_8 : i32
        %convert_element_type3A_254 = arith.extui %lt3A_253 : i1 to i32
        %cond3A_255 = arith.constant 0 : i32
        %cond3A_256 = arith.cmpi ne, %convert_element_type3A_254, %cond3A_255 : i32
        scf.if %cond3A_256 {
          %add3A_287 = arith.constant 4 : i32
          %add3A_288 = arith.addi %mul3A_199, %add3A_287 : i32
          %add3A_289 = arith.addi %add3A_4, %add3A_288 : i32
          %mul3A_290 = arith.constant 128 : i32
          %mul3A_291 = arith.muli %add3A_289, %mul3A_290 : i32
          %dma_start3A_292 = arith.constant 0 : i32
          %dma_start3A_293 = arith.constant 0 : i32
          %dma_start3A_294 = arith.constant 0 : i32
          %dma_start3A_295 = tpu.memref_slice %arg5[%dma_start3A_292, %dma_start3A_293, %dma_start3A_294] : memref<4x2x128xi32, #tpu.memory_space<vmem>> -> memref<1x2x128xi32, #tpu.memory_space<vmem>>
          %dma_start3A_296 = tpu.memref_squeeze %dma_start3A_295 : memref<1x2x128xi32, #tpu.memory_space<vmem>> -> memref<2x128xi32, #tpu.memory_space<vmem>>
          %dma_start3A_297 = arith.constant 0 : i32
          %dma_start3A_298 = tpu.memref_slice %arg3[%dma_start3A_297, %mul3A_291] : memref<2x320000xi32, #tpu.memory_space<hbm>> -> memref<2x128xi32, #tpu.memory_space<hbm>>
          %dma_start3A_299 = arith.constant 0 : i32
          %dma_start3A_300 = arith.constant 0 : i32
          %dma_start3A_301 = tpu.memref_slice %arg5[%dma_start3A_292, %dma_start3A_299, %dma_start3A_300] : memref<4x2x128xi32, #tpu.memory_space<vmem>> -> memref<1x2x128xi32, #tpu.memory_space<vmem>>
          %dma_start3A_302 = tpu.memref_squeeze %dma_start3A_301 : memref<1x2x128xi32, #tpu.memory_space<vmem>> -> memref<2x128xi32, #tpu.memory_space<vmem>>
          %dma_start3A_303 = arith.constant 0 : i32
          %dma_start3A_304 = tpu.memref_slice %arg3[%dma_start3A_303, %mul3A_291] : memref<2x320000xi32, #tpu.memory_space<hbm>> -> memref<2x128xi32, #tpu.memory_space<hbm>>
          tpu.enqueue_dma source(%dma_start3A_304 : memref<2x128xi32, #tpu.memory_space<hbm>>) target(%dma_start3A_302 : memref<2x128xi32, #tpu.memory_space<vmem>>) target_semaphore(%arg11 : memref<!tpu.dma_semaphore, #tpu.memory_space<semaphore_mem>>)
        } else {
        }
        %add3A_257 = arith.constant 2 : i32
        %add3A_258 = arith.addi %mul3A_199, %add3A_257 : i32
        %lt3A_259 = arith.cmpi slt, %add3A_258, %add3A_8 : i32
        %convert_element_type3A_260 = arith.extui %lt3A_259 : i1 to i32
        %cond3A_261 = arith.constant 0 : i32
        %cond3A_262 = arith.cmpi ne, %convert_element_type3A_260, %cond3A_261 : i32
        scf.if %cond3A_262 {
          %dma_wait3A_287 = arith.constant 1 : i32
          %dma_wait3A_288 = arith.constant 0 : i32
          %dma_wait3A_289 = arith.constant 0 : i32
          %dma_wait3A_290 = tpu.memref_slice %arg5[%dma_wait3A_287, %dma_wait3A_288, %dma_wait3A_289] : memref<4x2x128xi32, #tpu.memory_space<vmem>> -> memref<1x2x128xi32, #tpu.memory_space<vmem>>
          %dma_wait3A_291 = tpu.memref_squeeze %dma_wait3A_290 : memref<1x2x128xi32, #tpu.memory_space<vmem>> -> memref<2x128xi32, #tpu.memory_space<vmem>>
          %dma_wait3A_292 = arith.constant 0 : i32
          %dma_wait3A_293 = arith.constant 0 : i32
          %dma_wait3A_294 = tpu.memref_slice %arg3[%dma_wait3A_292, %dma_wait3A_293] : memref<2x320000xi32, #tpu.memory_space<hbm>> -> memref<2x128xi32, #tpu.memory_space<hbm>>
          %dma_wait3A_295 = arith.constant 0 : i32
          %dma_wait3A_296 = arith.constant 0 : i32
          %dma_wait3A_297 = tpu.memref_slice %arg5[%dma_wait3A_287, %dma_wait3A_295, %dma_wait3A_296] : memref<4x2x128xi32, #tpu.memory_space<vmem>> -> memref<1x2x128xi32, #tpu.memory_space<vmem>>
          %dma_wait3A_298 = tpu.memref_squeeze %dma_wait3A_297 : memref<1x2x128xi32, #tpu.memory_space<vmem>> -> memref<2x128xi32, #tpu.memory_space<vmem>>
          %dma_wait3A_299 = arith.constant 0 : i32
          %dma_wait3A_300 = arith.constant 0 : i32
          %dma_wait3A_301 = tpu.memref_slice %arg3[%dma_wait3A_299, %dma_wait3A_300] : memref<2x320000xi32, #tpu.memory_space<hbm>> -> memref<2x128xi32, #tpu.memory_space<hbm>>
          tpu.wait_dma2 semaphore(%arg12 : memref<!tpu.dma_semaphore, #tpu.memory_space<semaphore_mem>>) src(%dma_wait3A_301 : memref<2x128xi32, #tpu.memory_space<hbm>>) dst(%dma_wait3A_298 : memref<2x128xi32, #tpu.memory_space<vmem>>)
          %dma_start3A_302 = arith.constant 1 : i32
          %dma_start3A_303 = arith.constant 0 : i32
          %dma_start3A_304 = arith.constant 0 : i32
          %dma_start3A_305 = tpu.memref_slice %arg5[%dma_start3A_302, %dma_start3A_303, %dma_start3A_304] : memref<4x2x128xi32, #tpu.memory_space<vmem>> -> memref<1x1x128xi32, #tpu.memory_space<vmem>>
          %dma_start3A_306 = tpu.memref_squeeze %dma_start3A_305 : memref<1x1x128xi32, #tpu.memory_space<vmem>> -> memref<128xi32, #tpu.memory_space<vmem>>
          %dma_start3A_307 = arith.constant 0 : i32
          %dma_start3A_308 = arith.constant 0 : i32
          %dma_start3A_309 = tpu.memref_slice %arg2[%dma_start3A_307, %dma_start3A_308] : memref<10000x128xf32, #tpu.memory_space<hbm>> -> memref<10000x128xf32, #tpu.memory_space<hbm>>
          tpu.enqueue_indirect_dma source(%dma_start3A_309 : memref<10000x128xf32, #tpu.memory_space<hbm>>) target(%arg6 : memref<128x128xf32, #tpu.memory_space<vmem>>) offsets(%dma_start3A_306 : memref<128xi32, #tpu.memory_space<vmem>>) semaphore(%arg9 : memref<!tpu.dma_semaphore, #tpu.memory_space<semaphore_mem>>)
        } else {
        }
        %add3A_263 = arith.constant 1 : i32
        %add3A_264 = arith.addi %mul3A_199, %add3A_263 : i32
        %dma_wait3A_265 = arith.constant 2 : i32
        %dma_wait3A_266 = arith.constant 0 : i32
        %dma_wait3A_267 = arith.constant 0 : i32
        %dma_wait3A_268 = tpu.memref_slice %arg5[%dma_wait3A_265, %dma_wait3A_266, %dma_wait3A_267] : memref<4x2x128xi32, #tpu.memory_space<vmem>> -> memref<1x1x128xi32, #tpu.memory_space<vmem>>
        %dma_wait3A_269 = tpu.memref_squeeze %dma_wait3A_268 : memref<1x1x128xi32, #tpu.memory_space<vmem>> -> memref<128xi32, #tpu.memory_space<vmem>>
        %dma_wait3A_270 = arith.constant 0 : i32
        %dma_wait3A_271 = arith.constant 0 : i32
        %dma_wait3A_272 = tpu.memref_slice %arg2[%dma_wait3A_270, %dma_wait3A_271] : memref<10000x128xf32, #tpu.memory_space<hbm>> -> memref<10000x128xf32, #tpu.memory_space<hbm>>
        tpu.wait_indirect_dma semaphore(%arg10 : memref<!tpu.dma_semaphore, #tpu.memory_space<semaphore_mem>>) src(%dma_wait3A_272 : memref<10000x128xf32, #tpu.memory_space<hbm>>) dst(%arg7 : memref<128x128xf32, #tpu.memory_space<vmem>>)
        %run_scoped3A_273 = arith.constant 2 : i32
        %run_scoped3A_274 = arith.constant 1 : i32
        "tpu.region"() ({
          %run_scoped3A_287 = tpu.sem_alloc : memref<!tpu.dma_semaphore, #tpu.memory_space<semaphore_mem>>
          %dma_start3A_288 = arith.constant 0 : i32
          %dma_start3A_289 = tpu.memref_slice %arg5[%run_scoped3A_273, %run_scoped3A_274, %dma_start3A_288] : memref<4x2x128xi32, #tpu.memory_space<vmem>> -> memref<1x1x128xi32, #tpu.memory_space<vmem>>
          %dma_start3A_290 = tpu.memref_squeeze %dma_start3A_289 : memref<1x1x128xi32, #tpu.memory_space<vmem>> -> memref<128xi32, #tpu.memory_space<vmem>>
          %dma_start3A_291 = arith.constant 0 : i32
          %dma_start3A_292 = arith.constant 0 : i32
          %dma_start3A_293 = tpu.memref_slice %arg8[%dma_start3A_291, %dma_start3A_292] : memref<10240x128xf32, #tpu.memory_space<vmem_shared>> -> memref<10240x128xf32, #tpu.memory_space<vmem_shared>>
          tpu.enqueue_indirect_dma source(%arg7 : memref<128x128xf32, #tpu.memory_space<vmem>>) target(%dma_start3A_293 : memref<10240x128xf32, #tpu.memory_space<vmem_shared>>) offsets(%dma_start3A_290 : memref<128xi32, #tpu.memory_space<vmem>>) semaphore(%run_scoped3A_287 : memref<!tpu.dma_semaphore, #tpu.memory_space<semaphore_mem>>) {add = true}
          %dma_wait3A_294 = arith.constant 0 : i32
          %dma_wait3A_295 = tpu.memref_slice %arg5[%run_scoped3A_273, %run_scoped3A_274, %dma_wait3A_294] : memref<4x2x128xi32, #tpu.memory_space<vmem>> -> memref<1x1x128xi32, #tpu.memory_space<vmem>>
          %dma_wait3A_296 = tpu.memref_squeeze %dma_wait3A_295 : memref<1x1x128xi32, #tpu.memory_space<vmem>> -> memref<128xi32, #tpu.memory_space<vmem>>
          %dma_wait3A_297 = arith.constant 0 : i32
          %dma_wait3A_298 = arith.constant 0 : i32
          %dma_wait3A_299 = tpu.memref_slice %arg8[%dma_wait3A_297, %dma_wait3A_298] : memref<10240x128xf32, #tpu.memory_space<vmem_shared>> -> memref<10240x128xf32, #tpu.memory_space<vmem_shared>>
          tpu.wait_indirect_dma semaphore(%run_scoped3A_287 : memref<!tpu.dma_semaphore, #tpu.memory_space<semaphore_mem>>) src(%arg7 : memref<128x128xf32, #tpu.memory_space<vmem>>) dst(%dma_wait3A_299 : memref<10240x128xf32, #tpu.memory_space<vmem_shared>>)
          tpu.yield
        }) : () -> ()
        %add3A_275 = arith.constant 4 : i32
        %add3A_276 = arith.addi %add3A_264, %add3A_275 : i32
        %lt3A_277 = arith.cmpi slt, %add3A_276, %add3A_8 : i32
        %convert_element_type3A_278 = arith.extui %lt3A_277 : i1 to i32
        %cond3A_279 = arith.constant 0 : i32
        %cond3A_280 = arith.cmpi ne, %convert_element_type3A_278, %cond3A_279 : i32
        scf.if %cond3A_280 {
          %add3A_287 = arith.constant 4 : i32
          %add3A_288 = arith.addi %add3A_264, %add3A_287 : i32
          %add3A_289 = arith.addi %add3A_4, %add3A_288 : i32
          %mul3A_290 = arith.constant 128 : i32
          %mul3A_291 = arith.muli %add3A_289, %mul3A_290 : i32
          %dma_start3A_292 = arith.constant 2 : i32
          %dma_start3A_293 = arith.constant 0 : i32
          %dma_start3A_294 = arith.constant 0 : i32
          %dma_start3A_295 = tpu.memref_slice %arg5[%dma_start3A_292, %dma_start3A_293, %dma_start3A_294] : memref<4x2x128xi32, #tpu.memory_space<vmem>> -> memref<1x2x128xi32, #tpu.memory_space<vmem>>
          %dma_start3A_296 = tpu.memref_squeeze %dma_start3A_295 : memref<1x2x128xi32, #tpu.memory_space<vmem>> -> memref<2x128xi32, #tpu.memory_space<vmem>>
          %dma_start3A_297 = arith.constant 0 : i32
          %dma_start3A_298 = tpu.memref_slice %arg3[%dma_start3A_297, %mul3A_291] : memref<2x320000xi32, #tpu.memory_space<hbm>> -> memref<2x128xi32, #tpu.memory_space<hbm>>
          %dma_start3A_299 = arith.constant 0 : i32
          %dma_start3A_300 = arith.constant 0 : i32
          %dma_start3A_301 = tpu.memref_slice %arg5[%dma_start3A_292, %dma_start3A_299, %dma_start3A_300] : memref<4x2x128xi32, #tpu.memory_space<vmem>> -> memref<1x2x128xi32, #tpu.memory_space<vmem>>
          %dma_start3A_302 = tpu.memref_squeeze %dma_start3A_301 : memref<1x2x128xi32, #tpu.memory_space<vmem>> -> memref<2x128xi32, #tpu.memory_space<vmem>>
          %dma_start3A_303 = arith.constant 0 : i32
          %dma_start3A_304 = tpu.memref_slice %arg3[%dma_start3A_303, %mul3A_291] : memref<2x320000xi32, #tpu.memory_space<hbm>> -> memref<2x128xi32, #tpu.memory_space<hbm>>
          tpu.enqueue_dma source(%dma_start3A_304 : memref<2x128xi32, #tpu.memory_space<hbm>>) target(%dma_start3A_302 : memref<2x128xi32, #tpu.memory_space<vmem>>) target_semaphore(%arg13 : memref<!tpu.dma_semaphore, #tpu.memory_space<semaphore_mem>>)
        } else {
        }
        %add3A_281 = arith.constant 2 : i32
        %add3A_282 = arith.addi %add3A_264, %add3A_281 : i32
        %lt3A_283 = arith.cmpi slt, %add3A_282, %add3A_8 : i32
        %convert_element_type3A_284 = arith.extui %lt3A_283 : i1 to i32
        %cond3A_285 = arith.constant 0 : i32
        %cond3A_286 = arith.cmpi ne, %convert_element_type3A_284, %cond3A_285 : i32
        scf.if %cond3A_286 {
          %dma_wait3A_287 = arith.constant 3 : i32
          %dma_wait3A_288 = arith.constant 0 : i32
          %dma_wait3A_289 = arith.constant 0 : i32
          %dma_wait3A_290 = tpu.memref_slice %arg5[%dma_wait3A_287, %dma_wait3A_288, %dma_wait3A_289] : memref<4x2x128xi32, #tpu.memory_space<vmem>> -> memref<1x2x128xi32, #tpu.memory_space<vmem>>
          %dma_wait3A_291 = tpu.memref_squeeze %dma_wait3A_290 : memref<1x2x128xi32, #tpu.memory_space<vmem>> -> memref<2x128xi32, #tpu.memory_space<vmem>>
          %dma_wait3A_292 = arith.constant 0 : i32
          %dma_wait3A_293 = arith.constant 0 : i32
          %dma_wait3A_294 = tpu.memref_slice %arg3[%dma_wait3A_292, %dma_wait3A_293] : memref<2x320000xi32, #tpu.memory_space<hbm>> -> memref<2x128xi32, #tpu.memory_space<hbm>>
          %dma_wait3A_295 = arith.constant 0 : i32
          %dma_wait3A_296 = arith.constant 0 : i32
          %dma_wait3A_297 = tpu.memref_slice %arg5[%dma_wait3A_287, %dma_wait3A_295, %dma_wait3A_296] : memref<4x2x128xi32, #tpu.memory_space<vmem>> -> memref<1x2x128xi32, #tpu.memory_space<vmem>>
          %dma_wait3A_298 = tpu.memref_squeeze %dma_wait3A_297 : memref<1x2x128xi32, #tpu.memory_space<vmem>> -> memref<2x128xi32, #tpu.memory_space<vmem>>
          %dma_wait3A_299 = arith.constant 0 : i32
          %dma_wait3A_300 = arith.constant 0 : i32
          %dma_wait3A_301 = tpu.memref_slice %arg3[%dma_wait3A_299, %dma_wait3A_300] : memref<2x320000xi32, #tpu.memory_space<hbm>> -> memref<2x128xi32, #tpu.memory_space<hbm>>
          tpu.wait_dma2 semaphore(%arg14 : memref<!tpu.dma_semaphore, #tpu.memory_space<semaphore_mem>>) src(%dma_wait3A_301 : memref<2x128xi32, #tpu.memory_space<hbm>>) dst(%dma_wait3A_298 : memref<2x128xi32, #tpu.memory_space<vmem>>)
          %dma_start3A_302 = arith.constant 3 : i32
          %dma_start3A_303 = arith.constant 0 : i32
          %dma_start3A_304 = arith.constant 0 : i32
          %dma_start3A_305 = tpu.memref_slice %arg5[%dma_start3A_302, %dma_start3A_303, %dma_start3A_304] : memref<4x2x128xi32, #tpu.memory_space<vmem>> -> memref<1x1x128xi32, #tpu.memory_space<vmem>>
          %dma_start3A_306 = tpu.memref_squeeze %dma_start3A_305 : memref<1x1x128xi32, #tpu.memory_space<vmem>> -> memref<128xi32, #tpu.memory_space<vmem>>
          %dma_start3A_307 = arith.constant 0 : i32
          %dma_start3A_308 = arith.constant 0 : i32
          %dma_start3A_309 = tpu.memref_slice %arg2[%dma_start3A_307, %dma_start3A_308] : memref<10000x128xf32, #tpu.memory_space<hbm>> -> memref<10000x128xf32, #tpu.memory_space<hbm>>
          tpu.enqueue_indirect_dma source(%dma_start3A_309 : memref<10000x128xf32, #tpu.memory_space<hbm>>) target(%arg7 : memref<128x128xf32, #tpu.memory_space<vmem>>) offsets(%dma_start3A_306 : memref<128xi32, #tpu.memory_space<vmem>>) semaphore(%arg10 : memref<!tpu.dma_semaphore, #tpu.memory_space<semaphore_mem>>)
        } else {
        }
      } else {
      }
      %jit3A_221 = arith.constant 2 : i32
      %eq3A_222 = arith.constant 0 : i32
      %eq3A_223 = arith.cmpi eq, %jit3A_221, %eq3A_222 : i32
      %jit3A_224 = arith.constant 1 : i32
      %select_n3A_225 = arith.select %eq3A_223, %jit3A_224, %jit3A_221 : i32
      %rem3A_226 = arith.remsi %while3A_197, %select_n3A_225 : i32
      %ne3A_227 = arith.constant 0 : i32
      %ne3A_228 = arith.cmpi ne, %rem3A_226, %ne3A_227 : i32
      %lt3A_229 = arith.constant 0 : i32
      %lt3A_230 = arith.cmpi slt, %rem3A_226, %lt3A_229 : i32
      %lt3A_231 = arith.constant 0 : i32
      %lt3A_232 = arith.cmpi slt, %select_n3A_225, %lt3A_231 : i32
      %ne3A_233 = arith.xori %lt3A_230, %lt3A_232 : i1
      %and3A_234 = arith.andi %ne3A_233, %ne3A_228 : i1
      %add3A_235 = arith.addi %rem3A_226, %select_n3A_225 : i32
      %select_n3A_236 = arith.select %and3A_234, %add3A_235, %rem3A_226 : i32
      %eq3A_237 = arith.constant 1 : i32
      %eq3A_238 = arith.cmpi eq, %select_n3A_236, %eq3A_237 : i32
      %convert_element_type3A_239 = arith.extui %eq3A_238 : i1 to i32
      %cond3A_240 = arith.constant 0 : i32
      %cond3A_241 = arith.cmpi ne, %convert_element_type3A_239, %cond3A_240 : i32
      scf.if %cond3A_241 {
        %dma_wait3A_242 = arith.constant 1 : i32
        %dma_wait3A_243 = arith.constant 0 : i32
        %dma_wait3A_244 = arith.constant 0 : i32
        %dma_wait3A_245 = tpu.memref_slice %arg5[%dma_wait3A_242, %dma_wait3A_243, %dma_wait3A_244] : memref<4x2x128xi32, #tpu.memory_space<vmem>> -> memref<1x1x128xi32, #tpu.memory_space<vmem>>
        %dma_wait3A_246 = tpu.memref_squeeze %dma_wait3A_245 : memref<1x1x128xi32, #tpu.memory_space<vmem>> -> memref<128xi32, #tpu.memory_space<vmem>>
        %dma_wait3A_247 = arith.constant 0 : i32
        %dma_wait3A_248 = arith.constant 0 : i32
        %dma_wait3A_249 = tpu.memref_slice %arg2[%dma_wait3A_247, %dma_wait3A_248] : memref<10000x128xf32, #tpu.memory_space<hbm>> -> memref<10000x128xf32, #tpu.memory_space<hbm>>
        tpu.wait_indirect_dma semaphore(%arg9 : memref<!tpu.dma_semaphore, #tpu.memory_space<semaphore_mem>>) src(%dma_wait3A_249 : memref<10000x128xf32, #tpu.memory_space<hbm>>) dst(%arg6 : memref<128x128xf32, #tpu.memory_space<vmem>>)
        %run_scoped3A = arith.constant 1 : i32
        %run_scoped3A_250 = arith.constant 1 : i32
        "tpu.region"() ({
          %run_scoped3A_287 = tpu.sem_alloc : memref<!tpu.dma_semaphore, #tpu.memory_space<semaphore_mem>>
          %dma_start3A_288 = arith.constant 0 : i32
          %dma_start3A_289 = tpu.memref_slice %arg5[%run_scoped3A, %run_scoped3A_250, %dma_start3A_288] : memref<4x2x128xi32, #tpu.memory_space<vmem>> -> memref<1x1x128xi32, #tpu.memory_space<vmem>>
          %dma_start3A_290 = tpu.memref_squeeze %dma_start3A_289 : memref<1x1x128xi32, #tpu.memory_space<vmem>> -> memref<128xi32, #tpu.memory_space<vmem>>
          %dma_start3A_291 = arith.constant 0 : i32
          %dma_start3A_292 = arith.constant 0 : i32
          %dma_start3A_293 = tpu.memref_slice %arg8[%dma_start3A_291, %dma_start3A_292] : memref<10240x128xf32, #tpu.memory_space<vmem_shared>> -> memref<10240x128xf32, #tpu.memory_space<vmem_shared>>
          tpu.enqueue_indirect_dma source(%arg6 : memref<128x128xf32, #tpu.memory_space<vmem>>) target(%dma_start3A_293 : memref<10240x128xf32, #tpu.memory_space<vmem_shared>>) offsets(%dma_start3A_290 : memref<128xi32, #tpu.memory_space<vmem>>) semaphore(%run_scoped3A_287 : memref<!tpu.dma_semaphore, #tpu.memory_space<semaphore_mem>>) {add = true}
          %dma_wait3A_294 = arith.constant 0 : i32
          %dma_wait3A_295 = tpu.memref_slice %arg5[%run_scoped3A, %run_scoped3A_250, %dma_wait3A_294] : memref<4x2x128xi32, #tpu.memory_space<vmem>> -> memref<1x1x128xi32, #tpu.memory_space<vmem>>
          %dma_wait3A_296 = tpu.memref_squeeze %dma_wait3A_295 : memref<1x1x128xi32, #tpu.memory_space<vmem>> -> memref<128xi32, #tpu.memory_space<vmem>>
          %dma_wait3A_297 = arith.constant 0 : i32
          %dma_wait3A_298 = arith.constant 0 : i32
          %dma_wait3A_299 = tpu.memref_slice %arg8[%dma_wait3A_297, %dma_wait3A_298] : memref<10240x128xf32, #tpu.memory_space<vmem_shared>> -> memref<10240x128xf32, #tpu.memory_space<vmem_shared>>
          tpu.wait_indirect_dma semaphore(%run_scoped3A_287 : memref<!tpu.dma_semaphore, #tpu.memory_space<semaphore_mem>>) src(%arg6 : memref<128x128xf32, #tpu.memory_space<vmem>>) dst(%dma_wait3A_299 : memref<10240x128xf32, #tpu.memory_space<vmem_shared>>)
          tpu.yield
        }) : () -> ()
        %add3A_251 = arith.constant 4 : i32
        %add3A_252 = arith.addi %mul3A_199, %add3A_251 : i32
        %lt3A_253 = arith.cmpi slt, %add3A_252, %add3A_8 : i32
        %convert_element_type3A_254 = arith.extui %lt3A_253 : i1 to i32
        %cond3A_255 = arith.constant 0 : i32
        %cond3A_256 = arith.cmpi ne, %convert_element_type3A_254, %cond3A_255 : i32
        scf.if %cond3A_256 {
          %add3A_287 = arith.constant 4 : i32
          %add3A_288 = arith.addi %mul3A_199, %add3A_287 : i32
          %add3A_289 = arith.addi %add3A_4, %add3A_288 : i32
          %mul3A_290 = arith.constant 128 : i32
          %mul3A_291 = arith.muli %add3A_289, %mul3A_290 : i32
          %dma_start3A_292 = arith.constant 1 : i32
          %dma_start3A_293 = arith.constant 0 : i32
          %dma_start3A_294 = arith.constant 0 : i32
          %dma_start3A_295 = tpu.memref_slice %arg5[%dma_start3A_292, %dma_start3A_293, %dma_start3A_294] : memref<4x2x128xi32, #tpu.memory_space<vmem>> -> memref<1x2x128xi32, #tpu.memory_space<vmem>>
          %dma_start3A_296 = tpu.memref_squeeze %dma_start3A_295 : memref<1x2x128xi32, #tpu.memory_space<vmem>> -> memref<2x128xi32, #tpu.memory_space<vmem>>
          %dma_start3A_297 = arith.constant 0 : i32
          %dma_start3A_298 = tpu.memref_slice %arg3[%dma_start3A_297, %mul3A_291] : memref<2x320000xi32, #tpu.memory_space<hbm>> -> memref<2x128xi32, #tpu.memory_space<hbm>>
          %dma_start3A_299 = arith.constant 0 : i32
          %dma_start3A_300 = arith.constant 0 : i32
          %dma_start3A_301 = tpu.memref_slice %arg5[%dma_start3A_292, %dma_start3A_299, %dma_start3A_300] : memref<4x2x128xi32, #tpu.memory_space<vmem>> -> memref<1x2x128xi32, #tpu.memory_space<vmem>>
          %dma_start3A_302 = tpu.memref_squeeze %dma_start3A_301 : memref<1x2x128xi32, #tpu.memory_space<vmem>> -> memref<2x128xi32, #tpu.memory_space<vmem>>
          %dma_start3A_303 = arith.constant 0 : i32
          %dma_start3A_304 = tpu.memref_slice %arg3[%dma_start3A_303, %mul3A_291] : memref<2x320000xi32, #tpu.memory_space<hbm>> -> memref<2x128xi32, #tpu.memory_space<hbm>>
          tpu.enqueue_dma source(%dma_start3A_304 : memref<2x128xi32, #tpu.memory_space<hbm>>) target(%dma_start3A_302 : memref<2x128xi32, #tpu.memory_space<vmem>>) target_semaphore(%arg12 : memref<!tpu.dma_semaphore, #tpu.memory_space<semaphore_mem>>)
        } else {
        }
        %add3A_257 = arith.constant 2 : i32
        %add3A_258 = arith.addi %mul3A_199, %add3A_257 : i32
        %lt3A_259 = arith.cmpi slt, %add3A_258, %add3A_8 : i32
        %convert_element_type3A_260 = arith.extui %lt3A_259 : i1 to i32
        %cond3A_261 = arith.constant 0 : i32
        %cond3A_262 = arith.cmpi ne, %convert_element_type3A_260, %cond3A_261 : i32
        scf.if %cond3A_262 {
          %dma_wait3A_287 = arith.constant 0 : i32
          %dma_wait3A_288 = arith.constant 0 : i32
          %dma_wait3A_289 = arith.constant 0 : i32
          %dma_wait3A_290 = tpu.memref_slice %arg5[%dma_wait3A_287, %dma_wait3A_288, %dma_wait3A_289] : memref<4x2x128xi32, #tpu.memory_space<vmem>> -> memref<1x2x128xi32, #tpu.memory_space<vmem>>
          %dma_wait3A_291 = tpu.memref_squeeze %dma_wait3A_290 : memref<1x2x128xi32, #tpu.memory_space<vmem>> -> memref<2x128xi32, #tpu.memory_space<vmem>>
          %dma_wait3A_292 = arith.constant 0 : i32
          %dma_wait3A_293 = arith.constant 0 : i32
          %dma_wait3A_294 = tpu.memref_slice %arg3[%dma_wait3A_292, %dma_wait3A_293] : memref<2x320000xi32, #tpu.memory_space<hbm>> -> memref<2x128xi32, #tpu.memory_space<hbm>>
          %dma_wait3A_295 = arith.constant 0 : i32
          %dma_wait3A_296 = arith.constant 0 : i32
          %dma_wait3A_297 = tpu.memref_slice %arg5[%dma_wait3A_287, %dma_wait3A_295, %dma_wait3A_296] : memref<4x2x128xi32, #tpu.memory_space<vmem>> -> memref<1x2x128xi32, #tpu.memory_space<vmem>>
          %dma_wait3A_298 = tpu.memref_squeeze %dma_wait3A_297 : memref<1x2x128xi32, #tpu.memory_space<vmem>> -> memref<2x128xi32, #tpu.memory_space<vmem>>
          %dma_wait3A_299 = arith.constant 0 : i32
          %dma_wait3A_300 = arith.constant 0 : i32
          %dma_wait3A_301 = tpu.memref_slice %arg3[%dma_wait3A_299, %dma_wait3A_300] : memref<2x320000xi32, #tpu.memory_space<hbm>> -> memref<2x128xi32, #tpu.memory_space<hbm>>
          tpu.wait_dma2 semaphore(%arg11 : memref<!tpu.dma_semaphore, #tpu.memory_space<semaphore_mem>>) src(%dma_wait3A_301 : memref<2x128xi32, #tpu.memory_space<hbm>>) dst(%dma_wait3A_298 : memref<2x128xi32, #tpu.memory_space<vmem>>)
          %dma_start3A_302 = arith.constant 0 : i32
          %dma_start3A_303 = arith.constant 0 : i32
          %dma_start3A_304 = arith.constant 0 : i32
          %dma_start3A_305 = tpu.memref_slice %arg5[%dma_start3A_302, %dma_start3A_303, %dma_start3A_304] : memref<4x2x128xi32, #tpu.memory_space<vmem>> -> memref<1x1x128xi32, #tpu.memory_space<vmem>>
          %dma_start3A_306 = tpu.memref_squeeze %dma_start3A_305 : memref<1x1x128xi32, #tpu.memory_space<vmem>> -> memref<128xi32, #tpu.memory_space<vmem>>
          %dma_start3A_307 = arith.constant 0 : i32
          %dma_start3A_308 = arith.constant 0 : i32
          %dma_start3A_309 = tpu.memref_slice %arg2[%dma_start3A_307, %dma_start3A_308] : memref<10000x128xf32, #tpu.memory_space<hbm>> -> memref<10000x128xf32, #tpu.memory_space<hbm>>
          tpu.enqueue_indirect_dma source(%dma_start3A_309 : memref<10000x128xf32, #tpu.memory_space<hbm>>) target(%arg6 : memref<128x128xf32, #tpu.memory_space<vmem>>) offsets(%dma_start3A_306 : memref<128xi32, #tpu.memory_space<vmem>>) semaphore(%arg9 : memref<!tpu.dma_semaphore, #tpu.memory_space<semaphore_mem>>)
        } else {
        }
        %add3A_263 = arith.constant 1 : i32
        %add3A_264 = arith.addi %mul3A_199, %add3A_263 : i32
        %dma_wait3A_265 = arith.constant 3 : i32
        %dma_wait3A_266 = arith.constant 0 : i32
        %dma_wait3A_267 = arith.constant 0 : i32
        %dma_wait3A_268 = tpu.memref_slice %arg5[%dma_wait3A_265, %dma_wait3A_266, %dma_wait3A_267] : memref<4x2x128xi32, #tpu.memory_space<vmem>> -> memref<1x1x128xi32, #tpu.memory_space<vmem>>
        %dma_wait3A_269 = tpu.memref_squeeze %dma_wait3A_268 : memref<1x1x128xi32, #tpu.memory_space<vmem>> -> memref<128xi32, #tpu.memory_space<vmem>>
        %dma_wait3A_270 = arith.constant 0 : i32
        %dma_wait3A_271 = arith.constant 0 : i32
        %dma_wait3A_272 = tpu.memref_slice %arg2[%dma_wait3A_270, %dma_wait3A_271] : memref<10000x128xf32, #tpu.memory_space<hbm>> -> memref<10000x128xf32, #tpu.memory_space<hbm>>
        tpu.wait_indirect_dma semaphore(%arg10 : memref<!tpu.dma_semaphore, #tpu.memory_space<semaphore_mem>>) src(%dma_wait3A_272 : memref<10000x128xf32, #tpu.memory_space<hbm>>) dst(%arg7 : memref<128x128xf32, #tpu.memory_space<vmem>>)
        %run_scoped3A_273 = arith.constant 3 : i32
        %run_scoped3A_274 = arith.constant 1 : i32
        "tpu.region"() ({
          %run_scoped3A_287 = tpu.sem_alloc : memref<!tpu.dma_semaphore, #tpu.memory_space<semaphore_mem>>
          %dma_start3A_288 = arith.constant 0 : i32
          %dma_start3A_289 = tpu.memref_slice %arg5[%run_scoped3A_273, %run_scoped3A_274, %dma_start3A_288] : memref<4x2x128xi32, #tpu.memory_space<vmem>> -> memref<1x1x128xi32, #tpu.memory_space<vmem>>
          %dma_start3A_290 = tpu.memref_squeeze %dma_start3A_289 : memref<1x1x128xi32, #tpu.memory_space<vmem>> -> memref<128xi32, #tpu.memory_space<vmem>>
          %dma_start3A_291 = arith.constant 0 : i32
          %dma_start3A_292 = arith.constant 0 : i32
          %dma_start3A_293 = tpu.memref_slice %arg8[%dma_start3A_291, %dma_start3A_292] : memref<10240x128xf32, #tpu.memory_space<vmem_shared>> -> memref<10240x128xf32, #tpu.memory_space<vmem_shared>>
          tpu.enqueue_indirect_dma source(%arg7 : memref<128x128xf32, #tpu.memory_space<vmem>>) target(%dma_start3A_293 : memref<10240x128xf32, #tpu.memory_space<vmem_shared>>) offsets(%dma_start3A_290 : memref<128xi32, #tpu.memory_space<vmem>>) semaphore(%run_scoped3A_287 : memref<!tpu.dma_semaphore, #tpu.memory_space<semaphore_mem>>) {add = true}
          %dma_wait3A_294 = arith.constant 0 : i32
          %dma_wait3A_295 = tpu.memref_slice %arg5[%run_scoped3A_273, %run_scoped3A_274, %dma_wait3A_294] : memref<4x2x128xi32, #tpu.memory_space<vmem>> -> memref<1x1x128xi32, #tpu.memory_space<vmem>>
          %dma_wait3A_296 = tpu.memref_squeeze %dma_wait3A_295 : memref<1x1x128xi32, #tpu.memory_space<vmem>> -> memref<128xi32, #tpu.memory_space<vmem>>
          %dma_wait3A_297 = arith.constant 0 : i32
          %dma_wait3A_298 = arith.constant 0 : i32
          %dma_wait3A_299 = tpu.memref_slice %arg8[%dma_wait3A_297, %dma_wait3A_298] : memref<10240x128xf32, #tpu.memory_space<vmem_shared>> -> memref<10240x128xf32, #tpu.memory_space<vmem_shared>>
          tpu.wait_indirect_dma semaphore(%run_scoped3A_287 : memref<!tpu.dma_semaphore, #tpu.memory_space<semaphore_mem>>) src(%arg7 : memref<128x128xf32, #tpu.memory_space<vmem>>) dst(%dma_wait3A_299 : memref<10240x128xf32, #tpu.memory_space<vmem_shared>>)
          tpu.yield
        }) : () -> ()
        %add3A_275 = arith.constant 4 : i32
        %add3A_276 = arith.addi %add3A_264, %add3A_275 : i32
        %lt3A_277 = arith.cmpi slt, %add3A_276, %add3A_8 : i32
        %convert_element_type3A_278 = arith.extui %lt3A_277 : i1 to i32
        %cond3A_279 = arith.constant 0 : i32
        %cond3A_280 = arith.cmpi ne, %convert_element_type3A_278, %cond3A_279 : i32
        scf.if %cond3A_280 {
          %add3A_287 = arith.constant 4 : i32
          %add3A_288 = arith.addi %add3A_264, %add3A_287 : i32
          %add3A_289 = arith.addi %add3A_4, %add3A_288 : i32
          %mul3A_290 = arith.constant 128 : i32
          %mul3A_291 = arith.muli %add3A_289, %mul3A_290 : i32
          %dma_start3A_292 = arith.constant 3 : i32
          %dma_start3A_293 = arith.constant 0 : i32
          %dma_start3A_294 = arith.constant 0 : i32
          %dma_start3A_295 = tpu.memref_slice %arg5[%dma_start3A_292, %dma_start3A_293, %dma_start3A_294] : memref<4x2x128xi32, #tpu.memory_space<vmem>> -> memref<1x2x128xi32, #tpu.memory_space<vmem>>
          %dma_start3A_296 = tpu.memref_squeeze %dma_start3A_295 : memref<1x2x128xi32, #tpu.memory_space<vmem>> -> memref<2x128xi32, #tpu.memory_space<vmem>>
          %dma_start3A_297 = arith.constant 0 : i32
          %dma_start3A_298 = tpu.memref_slice %arg3[%dma_start3A_297, %mul3A_291] : memref<2x320000xi32, #tpu.memory_space<hbm>> -> memref<2x128xi32, #tpu.memory_space<hbm>>
          %dma_start3A_299 = arith.constant 0 : i32
          %dma_start3A_300 = arith.constant 0 : i32
          %dma_start3A_301 = tpu.memref_slice %arg5[%dma_start3A_292, %dma_start3A_299, %dma_start3A_300] : memref<4x2x128xi32, #tpu.memory_space<vmem>> -> memref<1x2x128xi32, #tpu.memory_space<vmem>>
          %dma_start3A_302 = tpu.memref_squeeze %dma_start3A_301 : memref<1x2x128xi32, #tpu.memory_space<vmem>> -> memref<2x128xi32, #tpu.memory_space<vmem>>
          %dma_start3A_303 = arith.constant 0 : i32
          %dma_start3A_304 = tpu.memref_slice %arg3[%dma_start3A_303, %mul3A_291] : memref<2x320000xi32, #tpu.memory_space<hbm>> -> memref<2x128xi32, #tpu.memory_space<hbm>>
          tpu.enqueue_dma source(%dma_start3A_304 : memref<2x128xi32, #tpu.memory_space<hbm>>) target(%dma_start3A_302 : memref<2x128xi32, #tpu.memory_space<vmem>>) target_semaphore(%arg14 : memref<!tpu.dma_semaphore, #tpu.memory_space<semaphore_mem>>)
        } else {
        }
        %add3A_281 = arith.constant 2 : i32
        %add3A_282 = arith.addi %add3A_264, %add3A_281 : i32
        %lt3A_283 = arith.cmpi slt, %add3A_282, %add3A_8 : i32
        %convert_element_type3A_284 = arith.extui %lt3A_283 : i1 to i32
        %cond3A_285 = arith.constant 0 : i32
        %cond3A_286 = arith.cmpi ne, %convert_element_type3A_284, %cond3A_285 : i32
        scf.if %cond3A_286 {
          %dma_wait3A_287 = arith.constant 2 : i32
          %dma_wait3A_288 = arith.constant 0 : i32
          %dma_wait3A_289 = arith.constant 0 : i32
          %dma_wait3A_290 = tpu.memref_slice %arg5[%dma_wait3A_287, %dma_wait3A_288, %dma_wait3A_289] : memref<4x2x128xi32, #tpu.memory_space<vmem>> -> memref<1x2x128xi32, #tpu.memory_space<vmem>>
          %dma_wait3A_291 = tpu.memref_squeeze %dma_wait3A_290 : memref<1x2x128xi32, #tpu.memory_space<vmem>> -> memref<2x128xi32, #tpu.memory_space<vmem>>
          %dma_wait3A_292 = arith.constant 0 : i32
          %dma_wait3A_293 = arith.constant 0 : i32
          %dma_wait3A_294 = tpu.memref_slice %arg3[%dma_wait3A_292, %dma_wait3A_293] : memref<2x320000xi32, #tpu.memory_space<hbm>> -> memref<2x128xi32, #tpu.memory_space<hbm>>
          %dma_wait3A_295 = arith.constant 0 : i32
          %dma_wait3A_296 = arith.constant 0 : i32
          %dma_wait3A_297 = tpu.memref_slice %arg5[%dma_wait3A_287, %dma_wait3A_295, %dma_wait3A_296] : memref<4x2x128xi32, #tpu.memory_space<vmem>> -> memref<1x2x128xi32, #tpu.memory_space<vmem>>
          %dma_wait3A_298 = tpu.memref_squeeze %dma_wait3A_297 : memref<1x2x128xi32, #tpu.memory_space<vmem>> -> memref<2x128xi32, #tpu.memory_space<vmem>>
          %dma_wait3A_299 = arith.constant 0 : i32
          %dma_wait3A_300 = arith.constant 0 : i32
          %dma_wait3A_301 = tpu.memref_slice %arg3[%dma_wait3A_299, %dma_wait3A_300] : memref<2x320000xi32, #tpu.memory_space<hbm>> -> memref<2x128xi32, #tpu.memory_space<hbm>>
          tpu.wait_dma2 semaphore(%arg13 : memref<!tpu.dma_semaphore, #tpu.memory_space<semaphore_mem>>) src(%dma_wait3A_301 : memref<2x128xi32, #tpu.memory_space<hbm>>) dst(%dma_wait3A_298 : memref<2x128xi32, #tpu.memory_space<vmem>>)
          %dma_start3A_302 = arith.constant 2 : i32
          %dma_start3A_303 = arith.constant 0 : i32
          %dma_start3A_304 = arith.constant 0 : i32
          %dma_start3A_305 = tpu.memref_slice %arg5[%dma_start3A_302, %dma_start3A_303, %dma_start3A_304] : memref<4x2x128xi32, #tpu.memory_space<vmem>> -> memref<1x1x128xi32, #tpu.memory_space<vmem>>
          %dma_start3A_306 = tpu.memref_squeeze %dma_start3A_305 : memref<1x1x128xi32, #tpu.memory_space<vmem>> -> memref<128xi32, #tpu.memory_space<vmem>>
          %dma_start3A_307 = arith.constant 0 : i32
          %dma_start3A_308 = arith.constant 0 : i32
          %dma_start3A_309 = tpu.memref_slice %arg2[%dma_start3A_307, %dma_start3A_308] : memref<10000x128xf32, #tpu.memory_space<hbm>> -> memref<10000x128xf32, #tpu.memory_space<hbm>>
          tpu.enqueue_indirect_dma source(%dma_start3A_309 : memref<10000x128xf32, #tpu.memory_space<hbm>>) target(%arg7 : memref<128x128xf32, #tpu.memory_space<vmem>>) offsets(%dma_start3A_306 : memref<128xi32, #tpu.memory_space<vmem>>) semaphore(%arg10 : memref<!tpu.dma_semaphore, #tpu.memory_space<semaphore_mem>>)
        } else {
        }
      } else {
      }
    }
    %while3A_173 = arith.constant 1 : i32
    scf.for %while3A_197 = %while3A_171 to %while3A_167 step %while3A_173  : i32 {
      %mul3A_198 = arith.constant 2 : i32
      %mul3A_199 = arith.muli %mul3A_198, %while3A_197 : i32
      %jit3A_200 = arith.constant 2 : i32
      %eq3A_201 = arith.constant 0 : i32
      %eq3A_202 = arith.cmpi eq, %jit3A_200, %eq3A_201 : i32
      %jit3A_203 = arith.constant 1 : i32
      %select_n3A_204 = arith.select %eq3A_202, %jit3A_203, %jit3A_200 : i32
      %rem3A_205 = arith.remsi %while3A_197, %select_n3A_204 : i32
      %ne3A_206 = arith.constant 0 : i32
      %ne3A_207 = arith.cmpi ne, %rem3A_205, %ne3A_206 : i32
      %lt3A_208 = arith.constant 0 : i32
      %lt3A_209 = arith.cmpi slt, %rem3A_205, %lt3A_208 : i32
      %lt3A_210 = arith.constant 0 : i32
      %lt3A_211 = arith.cmpi slt, %select_n3A_204, %lt3A_210 : i32
      %ne3A_212 = arith.xori %lt3A_209, %lt3A_211 : i1
      %and3A_213 = arith.andi %ne3A_212, %ne3A_207 : i1
      %add3A_214 = arith.addi %rem3A_205, %select_n3A_204 : i32
      %select_n3A_215 = arith.select %and3A_213, %add3A_214, %rem3A_205 : i32
      %eq3A_216 = arith.constant 0 : i32
      %eq3A_217 = arith.cmpi eq, %select_n3A_215, %eq3A_216 : i32
      %convert_element_type3A_218 = arith.extui %eq3A_217 : i1 to i32
      %cond3A_219 = arith.constant 0 : i32
      %cond3A_220 = arith.cmpi ne, %convert_element_type3A_218, %cond3A_219 : i32
      scf.if %cond3A_220 {
        %dma_wait3A_242 = arith.constant 0 : i32
        %dma_wait3A_243 = arith.constant 0 : i32
        %dma_wait3A_244 = arith.constant 0 : i32
        %dma_wait3A_245 = tpu.memref_slice %arg5[%dma_wait3A_242, %dma_wait3A_243, %dma_wait3A_244] : memref<4x2x128xi32, #tpu.memory_space<vmem>> -> memref<1x1x128xi32, #tpu.memory_space<vmem>>
        %dma_wait3A_246 = tpu.memref_squeeze %dma_wait3A_245 : memref<1x1x128xi32, #tpu.memory_space<vmem>> -> memref<128xi32, #tpu.memory_space<vmem>>
        %dma_wait3A_247 = arith.constant 0 : i32
        %dma_wait3A_248 = arith.constant 0 : i32
        %dma_wait3A_249 = tpu.memref_slice %arg2[%dma_wait3A_247, %dma_wait3A_248] : memref<10000x128xf32, #tpu.memory_space<hbm>> -> memref<10000x128xf32, #tpu.memory_space<hbm>>
        tpu.wait_indirect_dma semaphore(%arg9 : memref<!tpu.dma_semaphore, #tpu.memory_space<semaphore_mem>>) src(%dma_wait3A_249 : memref<10000x128xf32, #tpu.memory_space<hbm>>) dst(%arg6 : memref<128x128xf32, #tpu.memory_space<vmem>>)
        %run_scoped3A = arith.constant 0 : i32
        %run_scoped3A_250 = arith.constant 1 : i32
        "tpu.region"() ({
          %run_scoped3A_287 = tpu.sem_alloc : memref<!tpu.dma_semaphore, #tpu.memory_space<semaphore_mem>>
          %dma_start3A_288 = arith.constant 0 : i32
          %dma_start3A_289 = tpu.memref_slice %arg5[%run_scoped3A, %run_scoped3A_250, %dma_start3A_288] : memref<4x2x128xi32, #tpu.memory_space<vmem>> -> memref<1x1x128xi32, #tpu.memory_space<vmem>>
          %dma_start3A_290 = tpu.memref_squeeze %dma_start3A_289 : memref<1x1x128xi32, #tpu.memory_space<vmem>> -> memref<128xi32, #tpu.memory_space<vmem>>
          %dma_start3A_291 = arith.constant 0 : i32
          %dma_start3A_292 = arith.constant 0 : i32
          %dma_start3A_293 = tpu.memref_slice %arg8[%dma_start3A_291, %dma_start3A_292] : memref<10240x128xf32, #tpu.memory_space<vmem_shared>> -> memref<10240x128xf32, #tpu.memory_space<vmem_shared>>
          tpu.enqueue_indirect_dma source(%arg6 : memref<128x128xf32, #tpu.memory_space<vmem>>) target(%dma_start3A_293 : memref<10240x128xf32, #tpu.memory_space<vmem_shared>>) offsets(%dma_start3A_290 : memref<128xi32, #tpu.memory_space<vmem>>) semaphore(%run_scoped3A_287 : memref<!tpu.dma_semaphore, #tpu.memory_space<semaphore_mem>>) {add = true}
          %dma_wait3A_294 = arith.constant 0 : i32
          %dma_wait3A_295 = tpu.memref_slice %arg5[%run_scoped3A, %run_scoped3A_250, %dma_wait3A_294] : memref<4x2x128xi32, #tpu.memory_space<vmem>> -> memref<1x1x128xi32, #tpu.memory_space<vmem>>
          %dma_wait3A_296 = tpu.memref_squeeze %dma_wait3A_295 : memref<1x1x128xi32, #tpu.memory_space<vmem>> -> memref<128xi32, #tpu.memory_space<vmem>>
          %dma_wait3A_297 = arith.constant 0 : i32
          %dma_wait3A_298 = arith.constant 0 : i32
          %dma_wait3A_299 = tpu.memref_slice %arg8[%dma_wait3A_297, %dma_wait3A_298] : memref<10240x128xf32, #tpu.memory_space<vmem_shared>> -> memref<10240x128xf32, #tpu.memory_space<vmem_shared>>
          tpu.wait_indirect_dma semaphore(%run_scoped3A_287 : memref<!tpu.dma_semaphore, #tpu.memory_space<semaphore_mem>>) src(%arg6 : memref<128x128xf32, #tpu.memory_space<vmem>>) dst(%dma_wait3A_299 : memref<10240x128xf32, #tpu.memory_space<vmem_shared>>)
          tpu.yield
        }) : () -> ()
        %add3A_251 = arith.constant 4 : i32
        %add3A_252 = arith.addi %mul3A_199, %add3A_251 : i32
        %lt3A_253 = arith.cmpi slt, %add3A_252, %add3A_8 : i32
        %convert_element_type3A_254 = arith.extui %lt3A_253 : i1 to i32
        %cond3A_255 = arith.constant 0 : i32
        %cond3A_256 = arith.cmpi ne, %convert_element_type3A_254, %cond3A_255 : i32
        scf.if %cond3A_256 {
          %add3A_287 = arith.constant 4 : i32
          %add3A_288 = arith.addi %mul3A_199, %add3A_287 : i32
          %add3A_289 = arith.addi %add3A_4, %add3A_288 : i32
          %mul3A_290 = arith.constant 128 : i32
          %mul3A_291 = arith.muli %add3A_289, %mul3A_290 : i32
          %dma_start3A_292 = arith.constant 0 : i32
          %dma_start3A_293 = arith.constant 0 : i32
          %dma_start3A_294 = arith.constant 0 : i32
          %dma_start3A_295 = tpu.memref_slice %arg5[%dma_start3A_292, %dma_start3A_293, %dma_start3A_294] : memref<4x2x128xi32, #tpu.memory_space<vmem>> -> memref<1x2x128xi32, #tpu.memory_space<vmem>>
          %dma_start3A_296 = tpu.memref_squeeze %dma_start3A_295 : memref<1x2x128xi32, #tpu.memory_space<vmem>> -> memref<2x128xi32, #tpu.memory_space<vmem>>
          %dma_start3A_297 = arith.constant 0 : i32
          %dma_start3A_298 = tpu.memref_slice %arg3[%dma_start3A_297, %mul3A_291] : memref<2x320000xi32, #tpu.memory_space<hbm>> -> memref<2x128xi32, #tpu.memory_space<hbm>>
          %dma_start3A_299 = arith.constant 0 : i32
          %dma_start3A_300 = arith.constant 0 : i32
          %dma_start3A_301 = tpu.memref_slice %arg5[%dma_start3A_292, %dma_start3A_299, %dma_start3A_300] : memref<4x2x128xi32, #tpu.memory_space<vmem>> -> memref<1x2x128xi32, #tpu.memory_space<vmem>>
          %dma_start3A_302 = tpu.memref_squeeze %dma_start3A_301 : memref<1x2x128xi32, #tpu.memory_space<vmem>> -> memref<2x128xi32, #tpu.memory_space<vmem>>
          %dma_start3A_303 = arith.constant 0 : i32
          %dma_start3A_304 = tpu.memref_slice %arg3[%dma_start3A_303, %mul3A_291] : memref<2x320000xi32, #tpu.memory_space<hbm>> -> memref<2x128xi32, #tpu.memory_space<hbm>>
          tpu.enqueue_dma source(%dma_start3A_304 : memref<2x128xi32, #tpu.memory_space<hbm>>) target(%dma_start3A_302 : memref<2x128xi32, #tpu.memory_space<vmem>>) target_semaphore(%arg11 : memref<!tpu.dma_semaphore, #tpu.memory_space<semaphore_mem>>)
        } else {
        }
        %add3A_257 = arith.constant 2 : i32
        %add3A_258 = arith.addi %mul3A_199, %add3A_257 : i32
        %lt3A_259 = arith.cmpi slt, %add3A_258, %add3A_8 : i32
        %convert_element_type3A_260 = arith.extui %lt3A_259 : i1 to i32
        %cond3A_261 = arith.constant 0 : i32
        %cond3A_262 = arith.cmpi ne, %convert_element_type3A_260, %cond3A_261 : i32
        scf.if %cond3A_262 {
          %dma_wait3A_287 = arith.constant 1 : i32
          %dma_wait3A_288 = arith.constant 0 : i32
          %dma_wait3A_289 = arith.constant 0 : i32
          %dma_wait3A_290 = tpu.memref_slice %arg5[%dma_wait3A_287, %dma_wait3A_288, %dma_wait3A_289] : memref<4x2x128xi32, #tpu.memory_space<vmem>> -> memref<1x2x128xi32, #tpu.memory_space<vmem>>
          %dma_wait3A_291 = tpu.memref_squeeze %dma_wait3A_290 : memref<1x2x128xi32, #tpu.memory_space<vmem>> -> memref<2x128xi32, #tpu.memory_space<vmem>>
          %dma_wait3A_292 = arith.constant 0 : i32
          %dma_wait3A_293 = arith.constant 0 : i32
          %dma_wait3A_294 = tpu.memref_slice %arg3[%dma_wait3A_292, %dma_wait3A_293] : memref<2x320000xi32, #tpu.memory_space<hbm>> -> memref<2x128xi32, #tpu.memory_space<hbm>>
          %dma_wait3A_295 = arith.constant 0 : i32
          %dma_wait3A_296 = arith.constant 0 : i32
          %dma_wait3A_297 = tpu.memref_slice %arg5[%dma_wait3A_287, %dma_wait3A_295, %dma_wait3A_296] : memref<4x2x128xi32, #tpu.memory_space<vmem>> -> memref<1x2x128xi32, #tpu.memory_space<vmem>>
          %dma_wait3A_298 = tpu.memref_squeeze %dma_wait3A_297 : memref<1x2x128xi32, #tpu.memory_space<vmem>> -> memref<2x128xi32, #tpu.memory_space<vmem>>
          %dma_wait3A_299 = arith.constant 0 : i32
          %dma_wait3A_300 = arith.constant 0 : i32
          %dma_wait3A_301 = tpu.memref_slice %arg3[%dma_wait3A_299, %dma_wait3A_300] : memref<2x320000xi32, #tpu.memory_space<hbm>> -> memref<2x128xi32, #tpu.memory_space<hbm>>
          tpu.wait_dma2 semaphore(%arg12 : memref<!tpu.dma_semaphore, #tpu.memory_space<semaphore_mem>>) src(%dma_wait3A_301 : memref<2x128xi32, #tpu.memory_space<hbm>>) dst(%dma_wait3A_298 : memref<2x128xi32, #tpu.memory_space<vmem>>)
          %dma_start3A_302 = arith.constant 1 : i32
          %dma_start3A_303 = arith.constant 0 : i32
          %dma_start3A_304 = arith.constant 0 : i32
          %dma_start3A_305 = tpu.memref_slice %arg5[%dma_start3A_302, %dma_start3A_303, %dma_start3A_304] : memref<4x2x128xi32, #tpu.memory_space<vmem>> -> memref<1x1x128xi32, #tpu.memory_space<vmem>>
          %dma_start3A_306 = tpu.memref_squeeze %dma_start3A_305 : memref<1x1x128xi32, #tpu.memory_space<vmem>> -> memref<128xi32, #tpu.memory_space<vmem>>
          %dma_start3A_307 = arith.constant 0 : i32
          %dma_start3A_308 = arith.constant 0 : i32
          %dma_start3A_309 = tpu.memref_slice %arg2[%dma_start3A_307, %dma_start3A_308] : memref<10000x128xf32, #tpu.memory_space<hbm>> -> memref<10000x128xf32, #tpu.memory_space<hbm>>
          tpu.enqueue_indirect_dma source(%dma_start3A_309 : memref<10000x128xf32, #tpu.memory_space<hbm>>) target(%arg6 : memref<128x128xf32, #tpu.memory_space<vmem>>) offsets(%dma_start3A_306 : memref<128xi32, #tpu.memory_space<vmem>>) semaphore(%arg9 : memref<!tpu.dma_semaphore, #tpu.memory_space<semaphore_mem>>)
        } else {
        }
        %add3A_263 = arith.constant 1 : i32
        %add3A_264 = arith.addi %mul3A_199, %add3A_263 : i32
        %dma_wait3A_265 = arith.constant 2 : i32
        %dma_wait3A_266 = arith.constant 0 : i32
        %dma_wait3A_267 = arith.constant 0 : i32
        %dma_wait3A_268 = tpu.memref_slice %arg5[%dma_wait3A_265, %dma_wait3A_266, %dma_wait3A_267] : memref<4x2x128xi32, #tpu.memory_space<vmem>> -> memref<1x1x128xi32, #tpu.memory_space<vmem>>
        %dma_wait3A_269 = tpu.memref_squeeze %dma_wait3A_268 : memref<1x1x128xi32, #tpu.memory_space<vmem>> -> memref<128xi32, #tpu.memory_space<vmem>>
        %dma_wait3A_270 = arith.constant 0 : i32
        %dma_wait3A_271 = arith.constant 0 : i32
        %dma_wait3A_272 = tpu.memref_slice %arg2[%dma_wait3A_270, %dma_wait3A_271] : memref<10000x128xf32, #tpu.memory_space<hbm>> -> memref<10000x128xf32, #tpu.memory_space<hbm>>
        tpu.wait_indirect_dma semaphore(%arg10 : memref<!tpu.dma_semaphore, #tpu.memory_space<semaphore_mem>>) src(%dma_wait3A_272 : memref<10000x128xf32, #tpu.memory_space<hbm>>) dst(%arg7 : memref<128x128xf32, #tpu.memory_space<vmem>>)
        %run_scoped3A_273 = arith.constant 2 : i32
        %run_scoped3A_274 = arith.constant 1 : i32
        "tpu.region"() ({
          %run_scoped3A_287 = tpu.sem_alloc : memref<!tpu.dma_semaphore, #tpu.memory_space<semaphore_mem>>
          %dma_start3A_288 = arith.constant 0 : i32
          %dma_start3A_289 = tpu.memref_slice %arg5[%run_scoped3A_273, %run_scoped3A_274, %dma_start3A_288] : memref<4x2x128xi32, #tpu.memory_space<vmem>> -> memref<1x1x128xi32, #tpu.memory_space<vmem>>
          %dma_start3A_290 = tpu.memref_squeeze %dma_start3A_289 : memref<1x1x128xi32, #tpu.memory_space<vmem>> -> memref<128xi32, #tpu.memory_space<vmem>>
          %dma_start3A_291 = arith.constant 0 : i32
          %dma_start3A_292 = arith.constant 0 : i32
          %dma_start3A_293 = tpu.memref_slice %arg8[%dma_start3A_291, %dma_start3A_292] : memref<10240x128xf32, #tpu.memory_space<vmem_shared>> -> memref<10240x128xf32, #tpu.memory_space<vmem_shared>>
          tpu.enqueue_indirect_dma source(%arg7 : memref<128x128xf32, #tpu.memory_space<vmem>>) target(%dma_start3A_293 : memref<10240x128xf32, #tpu.memory_space<vmem_shared>>) offsets(%dma_start3A_290 : memref<128xi32, #tpu.memory_space<vmem>>) semaphore(%run_scoped3A_287 : memref<!tpu.dma_semaphore, #tpu.memory_space<semaphore_mem>>) {add = true}
          %dma_wait3A_294 = arith.constant 0 : i32
          %dma_wait3A_295 = tpu.memref_slice %arg5[%run_scoped3A_273, %run_scoped3A_274, %dma_wait3A_294] : memref<4x2x128xi32, #tpu.memory_space<vmem>> -> memref<1x1x128xi32, #tpu.memory_space<vmem>>
          %dma_wait3A_296 = tpu.memref_squeeze %dma_wait3A_295 : memref<1x1x128xi32, #tpu.memory_space<vmem>> -> memref<128xi32, #tpu.memory_space<vmem>>
          %dma_wait3A_297 = arith.constant 0 : i32
          %dma_wait3A_298 = arith.constant 0 : i32
          %dma_wait3A_299 = tpu.memref_slice %arg8[%dma_wait3A_297, %dma_wait3A_298] : memref<10240x128xf32, #tpu.memory_space<vmem_shared>> -> memref<10240x128xf32, #tpu.memory_space<vmem_shared>>
          tpu.wait_indirect_dma semaphore(%run_scoped3A_287 : memref<!tpu.dma_semaphore, #tpu.memory_space<semaphore_mem>>) src(%arg7 : memref<128x128xf32, #tpu.memory_space<vmem>>) dst(%dma_wait3A_299 : memref<10240x128xf32, #tpu.memory_space<vmem_shared>>)
          tpu.yield
        }) : () -> ()
        %add3A_275 = arith.constant 4 : i32
        %add3A_276 = arith.addi %add3A_264, %add3A_275 : i32
        %lt3A_277 = arith.cmpi slt, %add3A_276, %add3A_8 : i32
        %convert_element_type3A_278 = arith.extui %lt3A_277 : i1 to i32
        %cond3A_279 = arith.constant 0 : i32
        %cond3A_280 = arith.cmpi ne, %convert_element_type3A_278, %cond3A_279 : i32
        scf.if %cond3A_280 {
          %add3A_287 = arith.constant 4 : i32
          %add3A_288 = arith.addi %add3A_264, %add3A_287 : i32
          %add3A_289 = arith.addi %add3A_4, %add3A_288 : i32
          %mul3A_290 = arith.constant 128 : i32
          %mul3A_291 = arith.muli %add3A_289, %mul3A_290 : i32
          %dma_start3A_292 = arith.constant 2 : i32
          %dma_start3A_293 = arith.constant 0 : i32
          %dma_start3A_294 = arith.constant 0 : i32
          %dma_start3A_295 = tpu.memref_slice %arg5[%dma_start3A_292, %dma_start3A_293, %dma_start3A_294] : memref<4x2x128xi32, #tpu.memory_space<vmem>> -> memref<1x2x128xi32, #tpu.memory_space<vmem>>
          %dma_start3A_296 = tpu.memref_squeeze %dma_start3A_295 : memref<1x2x128xi32, #tpu.memory_space<vmem>> -> memref<2x128xi32, #tpu.memory_space<vmem>>
          %dma_start3A_297 = arith.constant 0 : i32
          %dma_start3A_298 = tpu.memref_slice %arg3[%dma_start3A_297, %mul3A_291] : memref<2x320000xi32, #tpu.memory_space<hbm>> -> memref<2x128xi32, #tpu.memory_space<hbm>>
          %dma_start3A_299 = arith.constant 0 : i32
          %dma_start3A_300 = arith.constant 0 : i32
          %dma_start3A_301 = tpu.memref_slice %arg5[%dma_start3A_292, %dma_start3A_299, %dma_start3A_300] : memref<4x2x128xi32, #tpu.memory_space<vmem>> -> memref<1x2x128xi32, #tpu.memory_space<vmem>>
          %dma_start3A_302 = tpu.memref_squeeze %dma_start3A_301 : memref<1x2x128xi32, #tpu.memory_space<vmem>> -> memref<2x128xi32, #tpu.memory_space<vmem>>
          %dma_start3A_303 = arith.constant 0 : i32
          %dma_start3A_304 = tpu.memref_slice %arg3[%dma_start3A_303, %mul3A_291] : memref<2x320000xi32, #tpu.memory_space<hbm>> -> memref<2x128xi32, #tpu.memory_space<hbm>>
          tpu.enqueue_dma source(%dma_start3A_304 : memref<2x128xi32, #tpu.memory_space<hbm>>) target(%dma_start3A_302 : memref<2x128xi32, #tpu.memory_space<vmem>>) target_semaphore(%arg13 : memref<!tpu.dma_semaphore, #tpu.memory_space<semaphore_mem>>)
        } else {
        }
        %add3A_281 = arith.constant 2 : i32
        %add3A_282 = arith.addi %add3A_264, %add3A_281 : i32
        %lt3A_283 = arith.cmpi slt, %add3A_282, %add3A_8 : i32
        %convert_element_type3A_284 = arith.extui %lt3A_283 : i1 to i32
        %cond3A_285 = arith.constant 0 : i32
        %cond3A_286 = arith.cmpi ne, %convert_element_type3A_284, %cond3A_285 : i32
        scf.if %cond3A_286 {
          %dma_wait3A_287 = arith.constant 3 : i32
          %dma_wait3A_288 = arith.constant 0 : i32
          %dma_wait3A_289 = arith.constant 0 : i32
          %dma_wait3A_290 = tpu.memref_slice %arg5[%dma_wait3A_287, %dma_wait3A_288, %dma_wait3A_289] : memref<4x2x128xi32, #tpu.memory_space<vmem>> -> memref<1x2x128xi32, #tpu.memory_space<vmem>>
          %dma_wait3A_291 = tpu.memref_squeeze %dma_wait3A_290 : memref<1x2x128xi32, #tpu.memory_space<vmem>> -> memref<2x128xi32, #tpu.memory_space<vmem>>
          %dma_wait3A_292 = arith.constant 0 : i32
          %dma_wait3A_293 = arith.constant 0 : i32
          %dma_wait3A_294 = tpu.memref_slice %arg3[%dma_wait3A_292, %dma_wait3A_293] : memref<2x320000xi32, #tpu.memory_space<hbm>> -> memref<2x128xi32, #tpu.memory_space<hbm>>
          %dma_wait3A_295 = arith.constant 0 : i32
          %dma_wait3A_296 = arith.constant 0 : i32
          %dma_wait3A_297 = tpu.memref_slice %arg5[%dma_wait3A_287, %dma_wait3A_295, %dma_wait3A_296] : memref<4x2x128xi32, #tpu.memory_space<vmem>> -> memref<1x2x128xi32, #tpu.memory_space<vmem>>
          %dma_wait3A_298 = tpu.memref_squeeze %dma_wait3A_297 : memref<1x2x128xi32, #tpu.memory_space<vmem>> -> memref<2x128xi32, #tpu.memory_space<vmem>>
          %dma_wait3A_299 = arith.constant 0 : i32
          %dma_wait3A_300 = arith.constant 0 : i32
          %dma_wait3A_301 = tpu.memref_slice %arg3[%dma_wait3A_299, %dma_wait3A_300] : memref<2x320000xi32, #tpu.memory_space<hbm>> -> memref<2x128xi32, #tpu.memory_space<hbm>>
          tpu.wait_dma2 semaphore(%arg14 : memref<!tpu.dma_semaphore, #tpu.memory_space<semaphore_mem>>) src(%dma_wait3A_301 : memref<2x128xi32, #tpu.memory_space<hbm>>) dst(%dma_wait3A_298 : memref<2x128xi32, #tpu.memory_space<vmem>>)
          %dma_start3A_302 = arith.constant 3 : i32
          %dma_start3A_303 = arith.constant 0 : i32
          %dma_start3A_304 = arith.constant 0 : i32
          %dma_start3A_305 = tpu.memref_slice %arg5[%dma_start3A_302, %dma_start3A_303, %dma_start3A_304] : memref<4x2x128xi32, #tpu.memory_space<vmem>> -> memref<1x1x128xi32, #tpu.memory_space<vmem>>
          %dma_start3A_306 = tpu.memref_squeeze %dma_start3A_305 : memref<1x1x128xi32, #tpu.memory_space<vmem>> -> memref<128xi32, #tpu.memory_space<vmem>>
          %dma_start3A_307 = arith.constant 0 : i32
          %dma_start3A_308 = arith.constant 0 : i32
          %dma_start3A_309 = tpu.memref_slice %arg2[%dma_start3A_307, %dma_start3A_308] : memref<10000x128xf32, #tpu.memory_space<hbm>> -> memref<10000x128xf32, #tpu.memory_space<hbm>>
          tpu.enqueue_indirect_dma source(%dma_start3A_309 : memref<10000x128xf32, #tpu.memory_space<hbm>>) target(%arg7 : memref<128x128xf32, #tpu.memory_space<vmem>>) offsets(%dma_start3A_306 : memref<128xi32, #tpu.memory_space<vmem>>) semaphore(%arg10 : memref<!tpu.dma_semaphore, #tpu.memory_space<semaphore_mem>>)
        } else {
        }
      } else {
      }
      %jit3A_221 = arith.constant 2 : i32
      %eq3A_222 = arith.constant 0 : i32
      %eq3A_223 = arith.cmpi eq, %jit3A_221, %eq3A_222 : i32
      %jit3A_224 = arith.constant 1 : i32
      %select_n3A_225 = arith.select %eq3A_223, %jit3A_224, %jit3A_221 : i32
      %rem3A_226 = arith.remsi %while3A_197, %select_n3A_225 : i32
      %ne3A_227 = arith.constant 0 : i32
      %ne3A_228 = arith.cmpi ne, %rem3A_226, %ne3A_227 : i32
      %lt3A_229 = arith.constant 0 : i32
      %lt3A_230 = arith.cmpi slt, %rem3A_226, %lt3A_229 : i32
      %lt3A_231 = arith.constant 0 : i32
      %lt3A_232 = arith.cmpi slt, %select_n3A_225, %lt3A_231 : i32
      %ne3A_233 = arith.xori %lt3A_230, %lt3A_232 : i1
      %and3A_234 = arith.andi %ne3A_233, %ne3A_228 : i1
      %add3A_235 = arith.addi %rem3A_226, %select_n3A_225 : i32
      %select_n3A_236 = arith.select %and3A_234, %add3A_235, %rem3A_226 : i32
      %eq3A_237 = arith.constant 1 : i32
      %eq3A_238 = arith.cmpi eq, %select_n3A_236, %eq3A_237 : i32
      %convert_element_type3A_239 = arith.extui %eq3A_238 : i1 to i32
      %cond3A_240 = arith.constant 0 : i32
      %cond3A_241 = arith.cmpi ne, %convert_element_type3A_239, %cond3A_240 : i32
      scf.if %cond3A_241 {
        %dma_wait3A_242 = arith.constant 1 : i32
        %dma_wait3A_243 = arith.constant 0 : i32
        %dma_wait3A_244 = arith.constant 0 : i32
        %dma_wait3A_245 = tpu.memref_slice %arg5[%dma_wait3A_242, %dma_wait3A_243, %dma_wait3A_244] : memref<4x2x128xi32, #tpu.memory_space<vmem>> -> memref<1x1x128xi32, #tpu.memory_space<vmem>>
        %dma_wait3A_246 = tpu.memref_squeeze %dma_wait3A_245 : memref<1x1x128xi32, #tpu.memory_space<vmem>> -> memref<128xi32, #tpu.memory_space<vmem>>
        %dma_wait3A_247 = arith.constant 0 : i32
        %dma_wait3A_248 = arith.constant 0 : i32
        %dma_wait3A_249 = tpu.memref_slice %arg2[%dma_wait3A_247, %dma_wait3A_248] : memref<10000x128xf32, #tpu.memory_space<hbm>> -> memref<10000x128xf32, #tpu.memory_space<hbm>>
        tpu.wait_indirect_dma semaphore(%arg9 : memref<!tpu.dma_semaphore, #tpu.memory_space<semaphore_mem>>) src(%dma_wait3A_249 : memref<10000x128xf32, #tpu.memory_space<hbm>>) dst(%arg6 : memref<128x128xf32, #tpu.memory_space<vmem>>)
        %run_scoped3A = arith.constant 1 : i32
        %run_scoped3A_250 = arith.constant 1 : i32
        "tpu.region"() ({
          %run_scoped3A_287 = tpu.sem_alloc : memref<!tpu.dma_semaphore, #tpu.memory_space<semaphore_mem>>
          %dma_start3A_288 = arith.constant 0 : i32
          %dma_start3A_289 = tpu.memref_slice %arg5[%run_scoped3A, %run_scoped3A_250, %dma_start3A_288] : memref<4x2x128xi32, #tpu.memory_space<vmem>> -> memref<1x1x128xi32, #tpu.memory_space<vmem>>
          %dma_start3A_290 = tpu.memref_squeeze %dma_start3A_289 : memref<1x1x128xi32, #tpu.memory_space<vmem>> -> memref<128xi32, #tpu.memory_space<vmem>>
          %dma_start3A_291 = arith.constant 0 : i32
          %dma_start3A_292 = arith.constant 0 : i32
          %dma_start3A_293 = tpu.memref_slice %arg8[%dma_start3A_291, %dma_start3A_292] : memref<10240x128xf32, #tpu.memory_space<vmem_shared>> -> memref<10240x128xf32, #tpu.memory_space<vmem_shared>>
          tpu.enqueue_indirect_dma source(%arg6 : memref<128x128xf32, #tpu.memory_space<vmem>>) target(%dma_start3A_293 : memref<10240x128xf32, #tpu.memory_space<vmem_shared>>) offsets(%dma_start3A_290 : memref<128xi32, #tpu.memory_space<vmem>>) semaphore(%run_scoped3A_287 : memref<!tpu.dma_semaphore, #tpu.memory_space<semaphore_mem>>) {add = true}
          %dma_wait3A_294 = arith.constant 0 : i32
          %dma_wait3A_295 = tpu.memref_slice %arg5[%run_scoped3A, %run_scoped3A_250, %dma_wait3A_294] : memref<4x2x128xi32, #tpu.memory_space<vmem>> -> memref<1x1x128xi32, #tpu.memory_space<vmem>>
          %dma_wait3A_296 = tpu.memref_squeeze %dma_wait3A_295 : memref<1x1x128xi32, #tpu.memory_space<vmem>> -> memref<128xi32, #tpu.memory_space<vmem>>
          %dma_wait3A_297 = arith.constant 0 : i32
          %dma_wait3A_298 = arith.constant 0 : i32
          %dma_wait3A_299 = tpu.memref_slice %arg8[%dma_wait3A_297, %dma_wait3A_298] : memref<10240x128xf32, #tpu.memory_space<vmem_shared>> -> memref<10240x128xf32, #tpu.memory_space<vmem_shared>>
          tpu.wait_indirect_dma semaphore(%run_scoped3A_287 : memref<!tpu.dma_semaphore, #tpu.memory_space<semaphore_mem>>) src(%arg6 : memref<128x128xf32, #tpu.memory_space<vmem>>) dst(%dma_wait3A_299 : memref<10240x128xf32, #tpu.memory_space<vmem_shared>>)
          tpu.yield
        }) : () -> ()
        %add3A_251 = arith.constant 4 : i32
        %add3A_252 = arith.addi %mul3A_199, %add3A_251 : i32
        %lt3A_253 = arith.cmpi slt, %add3A_252, %add3A_8 : i32
        %convert_element_type3A_254 = arith.extui %lt3A_253 : i1 to i32
        %cond3A_255 = arith.constant 0 : i32
        %cond3A_256 = arith.cmpi ne, %convert_element_type3A_254, %cond3A_255 : i32
        scf.if %cond3A_256 {
          %add3A_287 = arith.constant 4 : i32
          %add3A_288 = arith.addi %mul3A_199, %add3A_287 : i32
          %add3A_289 = arith.addi %add3A_4, %add3A_288 : i32
          %mul3A_290 = arith.constant 128 : i32
          %mul3A_291 = arith.muli %add3A_289, %mul3A_290 : i32
          %dma_start3A_292 = arith.constant 1 : i32
          %dma_start3A_293 = arith.constant 0 : i32
          %dma_start3A_294 = arith.constant 0 : i32
          %dma_start3A_295 = tpu.memref_slice %arg5[%dma_start3A_292, %dma_start3A_293, %dma_start3A_294] : memref<4x2x128xi32, #tpu.memory_space<vmem>> -> memref<1x2x128xi32, #tpu.memory_space<vmem>>
          %dma_start3A_296 = tpu.memref_squeeze %dma_start3A_295 : memref<1x2x128xi32, #tpu.memory_space<vmem>> -> memref<2x128xi32, #tpu.memory_space<vmem>>
          %dma_start3A_297 = arith.constant 0 : i32
          %dma_start3A_298 = tpu.memref_slice %arg3[%dma_start3A_297, %mul3A_291] : memref<2x320000xi32, #tpu.memory_space<hbm>> -> memref<2x128xi32, #tpu.memory_space<hbm>>
          %dma_start3A_299 = arith.constant 0 : i32
          %dma_start3A_300 = arith.constant 0 : i32
          %dma_start3A_301 = tpu.memref_slice %arg5[%dma_start3A_292, %dma_start3A_299, %dma_start3A_300] : memref<4x2x128xi32, #tpu.memory_space<vmem>> -> memref<1x2x128xi32, #tpu.memory_space<vmem>>
          %dma_start3A_302 = tpu.memref_squeeze %dma_start3A_301 : memref<1x2x128xi32, #tpu.memory_space<vmem>> -> memref<2x128xi32, #tpu.memory_space<vmem>>
          %dma_start3A_303 = arith.constant 0 : i32
          %dma_start3A_304 = tpu.memref_slice %arg3[%dma_start3A_303, %mul3A_291] : memref<2x320000xi32, #tpu.memory_space<hbm>> -> memref<2x128xi32, #tpu.memory_space<hbm>>
          tpu.enqueue_dma source(%dma_start3A_304 : memref<2x128xi32, #tpu.memory_space<hbm>>) target(%dma_start3A_302 : memref<2x128xi32, #tpu.memory_space<vmem>>) target_semaphore(%arg12 : memref<!tpu.dma_semaphore, #tpu.memory_space<semaphore_mem>>)
        } else {
        }
        %add3A_257 = arith.constant 2 : i32
        %add3A_258 = arith.addi %mul3A_199, %add3A_257 : i32
        %lt3A_259 = arith.cmpi slt, %add3A_258, %add3A_8 : i32
        %convert_element_type3A_260 = arith.extui %lt3A_259 : i1 to i32
        %cond3A_261 = arith.constant 0 : i32
        %cond3A_262 = arith.cmpi ne, %convert_element_type3A_260, %cond3A_261 : i32
        scf.if %cond3A_262 {
          %dma_wait3A_287 = arith.constant 0 : i32
          %dma_wait3A_288 = arith.constant 0 : i32
          %dma_wait3A_289 = arith.constant 0 : i32
          %dma_wait3A_290 = tpu.memref_slice %arg5[%dma_wait3A_287, %dma_wait3A_288, %dma_wait3A_289] : memref<4x2x128xi32, #tpu.memory_space<vmem>> -> memref<1x2x128xi32, #tpu.memory_space<vmem>>
          %dma_wait3A_291 = tpu.memref_squeeze %dma_wait3A_290 : memref<1x2x128xi32, #tpu.memory_space<vmem>> -> memref<2x128xi32, #tpu.memory_space<vmem>>
          %dma_wait3A_292 = arith.constant 0 : i32
          %dma_wait3A_293 = arith.constant 0 : i32
          %dma_wait3A_294 = tpu.memref_slice %arg3[%dma_wait3A_292, %dma_wait3A_293] : memref<2x320000xi32, #tpu.memory_space<hbm>> -> memref<2x128xi32, #tpu.memory_space<hbm>>
          %dma_wait3A_295 = arith.constant 0 : i32
          %dma_wait3A_296 = arith.constant 0 : i32
          %dma_wait3A_297 = tpu.memref_slice %arg5[%dma_wait3A_287, %dma_wait3A_295, %dma_wait3A_296] : memref<4x2x128xi32, #tpu.memory_space<vmem>> -> memref<1x2x128xi32, #tpu.memory_space<vmem>>
          %dma_wait3A_298 = tpu.memref_squeeze %dma_wait3A_297 : memref<1x2x128xi32, #tpu.memory_space<vmem>> -> memref<2x128xi32, #tpu.memory_space<vmem>>
          %dma_wait3A_299 = arith.constant 0 : i32
          %dma_wait3A_300 = arith.constant 0 : i32
          %dma_wait3A_301 = tpu.memref_slice %arg3[%dma_wait3A_299, %dma_wait3A_300] : memref<2x320000xi32, #tpu.memory_space<hbm>> -> memref<2x128xi32, #tpu.memory_space<hbm>>
          tpu.wait_dma2 semaphore(%arg11 : memref<!tpu.dma_semaphore, #tpu.memory_space<semaphore_mem>>) src(%dma_wait3A_301 : memref<2x128xi32, #tpu.memory_space<hbm>>) dst(%dma_wait3A_298 : memref<2x128xi32, #tpu.memory_space<vmem>>)
          %dma_start3A_302 = arith.constant 0 : i32
          %dma_start3A_303 = arith.constant 0 : i32
          %dma_start3A_304 = arith.constant 0 : i32
          %dma_start3A_305 = tpu.memref_slice %arg5[%dma_start3A_302, %dma_start3A_303, %dma_start3A_304] : memref<4x2x128xi32, #tpu.memory_space<vmem>> -> memref<1x1x128xi32, #tpu.memory_space<vmem>>
          %dma_start3A_306 = tpu.memref_squeeze %dma_start3A_305 : memref<1x1x128xi32, #tpu.memory_space<vmem>> -> memref<128xi32, #tpu.memory_space<vmem>>
          %dma_start3A_307 = arith.constant 0 : i32
          %dma_start3A_308 = arith.constant 0 : i32
          %dma_start3A_309 = tpu.memref_slice %arg2[%dma_start3A_307, %dma_start3A_308] : memref<10000x128xf32, #tpu.memory_space<hbm>> -> memref<10000x128xf32, #tpu.memory_space<hbm>>
          tpu.enqueue_indirect_dma source(%dma_start3A_309 : memref<10000x128xf32, #tpu.memory_space<hbm>>) target(%arg6 : memref<128x128xf32, #tpu.memory_space<vmem>>) offsets(%dma_start3A_306 : memref<128xi32, #tpu.memory_space<vmem>>) semaphore(%arg9 : memref<!tpu.dma_semaphore, #tpu.memory_space<semaphore_mem>>)
        } else {
        }
        %add3A_263 = arith.constant 1 : i32
        %add3A_264 = arith.addi %mul3A_199, %add3A_263 : i32
        %dma_wait3A_265 = arith.constant 3 : i32
        %dma_wait3A_266 = arith.constant 0 : i32
        %dma_wait3A_267 = arith.constant 0 : i32
        %dma_wait3A_268 = tpu.memref_slice %arg5[%dma_wait3A_265, %dma_wait3A_266, %dma_wait3A_267] : memref<4x2x128xi32, #tpu.memory_space<vmem>> -> memref<1x1x128xi32, #tpu.memory_space<vmem>>
        %dma_wait3A_269 = tpu.memref_squeeze %dma_wait3A_268 : memref<1x1x128xi32, #tpu.memory_space<vmem>> -> memref<128xi32, #tpu.memory_space<vmem>>
        %dma_wait3A_270 = arith.constant 0 : i32
        %dma_wait3A_271 = arith.constant 0 : i32
        %dma_wait3A_272 = tpu.memref_slice %arg2[%dma_wait3A_270, %dma_wait3A_271] : memref<10000x128xf32, #tpu.memory_space<hbm>> -> memref<10000x128xf32, #tpu.memory_space<hbm>>
        tpu.wait_indirect_dma semaphore(%arg10 : memref<!tpu.dma_semaphore, #tpu.memory_space<semaphore_mem>>) src(%dma_wait3A_272 : memref<10000x128xf32, #tpu.memory_space<hbm>>) dst(%arg7 : memref<128x128xf32, #tpu.memory_space<vmem>>)
        %run_scoped3A_273 = arith.constant 3 : i32
        %run_scoped3A_274 = arith.constant 1 : i32
        "tpu.region"() ({
          %run_scoped3A_287 = tpu.sem_alloc : memref<!tpu.dma_semaphore, #tpu.memory_space<semaphore_mem>>
          %dma_start3A_288 = arith.constant 0 : i32
          %dma_start3A_289 = tpu.memref_slice %arg5[%run_scoped3A_273, %run_scoped3A_274, %dma_start3A_288] : memref<4x2x128xi32, #tpu.memory_space<vmem>> -> memref<1x1x128xi32, #tpu.memory_space<vmem>>
          %dma_start3A_290 = tpu.memref_squeeze %dma_start3A_289 : memref<1x1x128xi32, #tpu.memory_space<vmem>> -> memref<128xi32, #tpu.memory_space<vmem>>
          %dma_start3A_291 = arith.constant 0 : i32
          %dma_start3A_292 = arith.constant 0 : i32
          %dma_start3A_293 = tpu.memref_slice %arg8[%dma_start3A_291, %dma_start3A_292] : memref<10240x128xf32, #tpu.memory_space<vmem_shared>> -> memref<10240x128xf32, #tpu.memory_space<vmem_shared>>
          tpu.enqueue_indirect_dma source(%arg7 : memref<128x128xf32, #tpu.memory_space<vmem>>) target(%dma_start3A_293 : memref<10240x128xf32, #tpu.memory_space<vmem_shared>>) offsets(%dma_start3A_290 : memref<128xi32, #tpu.memory_space<vmem>>) semaphore(%run_scoped3A_287 : memref<!tpu.dma_semaphore, #tpu.memory_space<semaphore_mem>>) {add = true}
          %dma_wait3A_294 = arith.constant 0 : i32
          %dma_wait3A_295 = tpu.memref_slice %arg5[%run_scoped3A_273, %run_scoped3A_274, %dma_wait3A_294] : memref<4x2x128xi32, #tpu.memory_space<vmem>> -> memref<1x1x128xi32, #tpu.memory_space<vmem>>
          %dma_wait3A_296 = tpu.memref_squeeze %dma_wait3A_295 : memref<1x1x128xi32, #tpu.memory_space<vmem>> -> memref<128xi32, #tpu.memory_space<vmem>>
          %dma_wait3A_297 = arith.constant 0 : i32
          %dma_wait3A_298 = arith.constant 0 : i32
          %dma_wait3A_299 = tpu.memref_slice %arg8[%dma_wait3A_297, %dma_wait3A_298] : memref<10240x128xf32, #tpu.memory_space<vmem_shared>> -> memref<10240x128xf32, #tpu.memory_space<vmem_shared>>
          tpu.wait_indirect_dma semaphore(%run_scoped3A_287 : memref<!tpu.dma_semaphore, #tpu.memory_space<semaphore_mem>>) src(%arg7 : memref<128x128xf32, #tpu.memory_space<vmem>>) dst(%dma_wait3A_299 : memref<10240x128xf32, #tpu.memory_space<vmem_shared>>)
          tpu.yield
        }) : () -> ()
        %add3A_275 = arith.constant 4 : i32
        %add3A_276 = arith.addi %add3A_264, %add3A_275 : i32
        %lt3A_277 = arith.cmpi slt, %add3A_276, %add3A_8 : i32
        %convert_element_type3A_278 = arith.extui %lt3A_277 : i1 to i32
        %cond3A_279 = arith.constant 0 : i32
        %cond3A_280 = arith.cmpi ne, %convert_element_type3A_278, %cond3A_279 : i32
        scf.if %cond3A_280 {
          %add3A_287 = arith.constant 4 : i32
          %add3A_288 = arith.addi %add3A_264, %add3A_287 : i32
          %add3A_289 = arith.addi %add3A_4, %add3A_288 : i32
          %mul3A_290 = arith.constant 128 : i32
          %mul3A_291 = arith.muli %add3A_289, %mul3A_290 : i32
          %dma_start3A_292 = arith.constant 3 : i32
          %dma_start3A_293 = arith.constant 0 : i32
          %dma_start3A_294 = arith.constant 0 : i32
          %dma_start3A_295 = tpu.memref_slice %arg5[%dma_start3A_292, %dma_start3A_293, %dma_start3A_294] : memref<4x2x128xi32, #tpu.memory_space<vmem>> -> memref<1x2x128xi32, #tpu.memory_space<vmem>>
          %dma_start3A_296 = tpu.memref_squeeze %dma_start3A_295 : memref<1x2x128xi32, #tpu.memory_space<vmem>> -> memref<2x128xi32, #tpu.memory_space<vmem>>
          %dma_start3A_297 = arith.constant 0 : i32
          %dma_start3A_298 = tpu.memref_slice %arg3[%dma_start3A_297, %mul3A_291] : memref<2x320000xi32, #tpu.memory_space<hbm>> -> memref<2x128xi32, #tpu.memory_space<hbm>>
          %dma_start3A_299 = arith.constant 0 : i32
          %dma_start3A_300 = arith.constant 0 : i32
          %dma_start3A_301 = tpu.memref_slice %arg5[%dma_start3A_292, %dma_start3A_299, %dma_start3A_300] : memref<4x2x128xi32, #tpu.memory_space<vmem>> -> memref<1x2x128xi32, #tpu.memory_space<vmem>>
          %dma_start3A_302 = tpu.memref_squeeze %dma_start3A_301 : memref<1x2x128xi32, #tpu.memory_space<vmem>> -> memref<2x128xi32, #tpu.memory_space<vmem>>
          %dma_start3A_303 = arith.constant 0 : i32
          %dma_start3A_304 = tpu.memref_slice %arg3[%dma_start3A_303, %mul3A_291] : memref<2x320000xi32, #tpu.memory_space<hbm>> -> memref<2x128xi32, #tpu.memory_space<hbm>>
          tpu.enqueue_dma source(%dma_start3A_304 : memref<2x128xi32, #tpu.memory_space<hbm>>) target(%dma_start3A_302 : memref<2x128xi32, #tpu.memory_space<vmem>>) target_semaphore(%arg14 : memref<!tpu.dma_semaphore, #tpu.memory_space<semaphore_mem>>)
        } else {
        }
        %add3A_281 = arith.constant 2 : i32
        %add3A_282 = arith.addi %add3A_264, %add3A_281 : i32
        %lt3A_283 = arith.cmpi slt, %add3A_282, %add3A_8 : i32
        %convert_element_type3A_284 = arith.extui %lt3A_283 : i1 to i32
        %cond3A_285 = arith.constant 0 : i32
        %cond3A_286 = arith.cmpi ne, %convert_element_type3A_284, %cond3A_285 : i32
        scf.if %cond3A_286 {
          %dma_wait3A_287 = arith.constant 2 : i32
          %dma_wait3A_288 = arith.constant 0 : i32
          %dma_wait3A_289 = arith.constant 0 : i32
          %dma_wait3A_290 = tpu.memref_slice %arg5[%dma_wait3A_287, %dma_wait3A_288, %dma_wait3A_289] : memref<4x2x128xi32, #tpu.memory_space<vmem>> -> memref<1x2x128xi32, #tpu.memory_space<vmem>>
          %dma_wait3A_291 = tpu.memref_squeeze %dma_wait3A_290 : memref<1x2x128xi32, #tpu.memory_space<vmem>> -> memref<2x128xi32, #tpu.memory_space<vmem>>
          %dma_wait3A_292 = arith.constant 0 : i32
          %dma_wait3A_293 = arith.constant 0 : i32
          %dma_wait3A_294 = tpu.memref_slice %arg3[%dma_wait3A_292, %dma_wait3A_293] : memref<2x320000xi32, #tpu.memory_space<hbm>> -> memref<2x128xi32, #tpu.memory_space<hbm>>
          %dma_wait3A_295 = arith.constant 0 : i32
          %dma_wait3A_296 = arith.constant 0 : i32
          %dma_wait3A_297 = tpu.memref_slice %arg5[%dma_wait3A_287, %dma_wait3A_295, %dma_wait3A_296] : memref<4x2x128xi32, #tpu.memory_space<vmem>> -> memref<1x2x128xi32, #tpu.memory_space<vmem>>
          %dma_wait3A_298 = tpu.memref_squeeze %dma_wait3A_297 : memref<1x2x128xi32, #tpu.memory_space<vmem>> -> memref<2x128xi32, #tpu.memory_space<vmem>>
          %dma_wait3A_299 = arith.constant 0 : i32
          %dma_wait3A_300 = arith.constant 0 : i32
          %dma_wait3A_301 = tpu.memref_slice %arg3[%dma_wait3A_299, %dma_wait3A_300] : memref<2x320000xi32, #tpu.memory_space<hbm>> -> memref<2x128xi32, #tpu.memory_space<hbm>>
          tpu.wait_dma2 semaphore(%arg13 : memref<!tpu.dma_semaphore, #tpu.memory_space<semaphore_mem>>) src(%dma_wait3A_301 : memref<2x128xi32, #tpu.memory_space<hbm>>) dst(%dma_wait3A_298 : memref<2x128xi32, #tpu.memory_space<vmem>>)
          %dma_start3A_302 = arith.constant 2 : i32
          %dma_start3A_303 = arith.constant 0 : i32
          %dma_start3A_304 = arith.constant 0 : i32
          %dma_start3A_305 = tpu.memref_slice %arg5[%dma_start3A_302, %dma_start3A_303, %dma_start3A_304] : memref<4x2x128xi32, #tpu.memory_space<vmem>> -> memref<1x1x128xi32, #tpu.memory_space<vmem>>
          %dma_start3A_306 = tpu.memref_squeeze %dma_start3A_305 : memref<1x1x128xi32, #tpu.memory_space<vmem>> -> memref<128xi32, #tpu.memory_space<vmem>>
          %dma_start3A_307 = arith.constant 0 : i32
          %dma_start3A_308 = arith.constant 0 : i32
          %dma_start3A_309 = tpu.memref_slice %arg2[%dma_start3A_307, %dma_start3A_308] : memref<10000x128xf32, #tpu.memory_space<hbm>> -> memref<10000x128xf32, #tpu.memory_space<hbm>>
          tpu.enqueue_indirect_dma source(%dma_start3A_309 : memref<10000x128xf32, #tpu.memory_space<hbm>>) target(%arg7 : memref<128x128xf32, #tpu.memory_space<vmem>>) offsets(%dma_start3A_306 : memref<128xi32, #tpu.memory_space<vmem>>) semaphore(%arg10 : memref<!tpu.dma_semaphore, #tpu.memory_space<semaphore_mem>>)
        } else {
        }
      } else {
      }
    }
    %jit3A_174 = arith.constant 2 : i32
    %eq3A = arith.constant 0 : i32
    %eq3A_175 = arith.cmpi eq, %jit3A_174, %eq3A : i32
    %jit3A_176 = arith.constant 1 : i32
    %select_n3A_177 = arith.select %eq3A_175, %jit3A_176, %jit3A_174 : i32
    %rem3A_178 = arith.remsi %add3A_8, %select_n3A_177 : i32
    %ne3A_179 = arith.constant 0 : i32
    %ne3A_180 = arith.cmpi ne, %rem3A_178, %ne3A_179 : i32
    %lt3A_181 = arith.constant 0 : i32
    %lt3A_182 = arith.cmpi slt, %rem3A_178, %lt3A_181 : i32
    %lt3A_183 = arith.constant 0 : i32
    %lt3A_184 = arith.cmpi slt, %select_n3A_177, %lt3A_183 : i32
    %ne3A_185 = arith.xori %lt3A_182, %lt3A_184 : i1
    %and3A_186 = arith.andi %ne3A_185, %ne3A_180 : i1
    %add3A_187 = arith.addi %rem3A_178, %select_n3A_177 : i32
    %select_n3A_188 = arith.select %and3A_186, %add3A_187, %rem3A_178 : i32
    %eq3A_189 = arith.constant 1 : i32
    %eq3A_190 = arith.cmpi eq, %select_n3A_188, %eq3A_189 : i32
    %convert_element_type3A = arith.extui %eq3A_190 : i1 to i32
    %cond3A = arith.constant 0 : i32
    %cond3A_191 = arith.cmpi ne, %convert_element_type3A, %cond3A : i32
    scf.if %cond3A_191 {
      %sub3A_197 = arith.constant 1 : i32
      %sub3A_198 = arith.subi %add3A_8, %sub3A_197 : i32
      %jit3A_199 = arith.constant 2 : i32
      %div3A_200 = arith.divsi %sub3A_198, %jit3A_199 : i32
      %sign3A_201 = arith.constant 0 : i32
      %sign3A_202 = arith.cmpi sgt, %sub3A_198, %sign3A_201 : i32
      %sign3A_203 = arith.extui %sign3A_202 : i1 to i32
      %sign3A_204 = arith.constant 0 : i32
      %sign3A_205 = arith.cmpi slt, %sub3A_198, %sign3A_204 : i32
      %sign3A_206 = arith.extui %sign3A_205 : i1 to i32
      %sign3A_207 = arith.subi %sign3A_203, %sign3A_206 : i32
      %sign3A_208 = arith.constant 0 : i32
      %sign3A_209 = arith.cmpi sgt, %jit3A_199, %sign3A_208 : i32
      %sign3A_210 = arith.extui %sign3A_209 : i1 to i32
      %sign3A_211 = arith.constant 0 : i32
      %sign3A_212 = arith.cmpi slt, %jit3A_199, %sign3A_211 : i32
      %sign3A_213 = arith.extui %sign3A_212 : i1 to i32
      %sign3A_214 = arith.subi %sign3A_210, %sign3A_213 : i32
      %ne3A_215 = arith.cmpi ne, %sign3A_207, %sign3A_214 : i32
      %rem3A_216 = arith.remsi %sub3A_198, %jit3A_199 : i32
      %ne3A_217 = arith.constant 0 : i32
      %ne3A_218 = arith.cmpi ne, %rem3A_216, %ne3A_217 : i32
      %and3A_219 = arith.andi %ne3A_215, %ne3A_218 : i1
      %sub3A_220 = arith.constant 1 : i32
      %sub3A_221 = arith.subi %div3A_200, %sub3A_220 : i32
      %select_n3A_222 = arith.select %and3A_219, %sub3A_221, %div3A_200 : i32
      %jit3A_223 = arith.constant 2 : i32
      %eq3A_224 = arith.constant 0 : i32
      %eq3A_225 = arith.cmpi eq, %jit3A_223, %eq3A_224 : i32
      %jit3A_226 = arith.constant 1 : i32
      %select_n3A_227 = arith.select %eq3A_225, %jit3A_226, %jit3A_223 : i32
      %rem3A_228 = arith.remsi %select_n3A_222, %select_n3A_227 : i32
      %ne3A_229 = arith.constant 0 : i32
      %ne3A_230 = arith.cmpi ne, %rem3A_228, %ne3A_229 : i32
      %lt3A_231 = arith.constant 0 : i32
      %lt3A_232 = arith.cmpi slt, %rem3A_228, %lt3A_231 : i32
      %lt3A_233 = arith.constant 0 : i32
      %lt3A_234 = arith.cmpi slt, %select_n3A_227, %lt3A_233 : i32
      %ne3A_235 = arith.xori %lt3A_232, %lt3A_234 : i1
      %and3A_236 = arith.andi %ne3A_235, %ne3A_230 : i1
      %add3A_237 = arith.addi %rem3A_228, %select_n3A_227 : i32
      %select_n3A_238 = arith.select %and3A_236, %add3A_237, %rem3A_228 : i32
      %eq3A_239 = arith.constant 0 : i32
      %eq3A_240 = arith.cmpi eq, %select_n3A_238, %eq3A_239 : i32
      %convert_element_type3A_241 = arith.extui %eq3A_240 : i1 to i32
      %cond3A_242 = arith.constant 0 : i32
      %cond3A_243 = arith.cmpi ne, %convert_element_type3A_241, %cond3A_242 : i32
      scf.if %cond3A_243 {
        %dma_wait3A_289 = arith.constant 0 : i32
        %dma_wait3A_290 = arith.constant 0 : i32
        %dma_wait3A_291 = arith.constant 0 : i32
        %dma_wait3A_292 = tpu.memref_slice %arg5[%dma_wait3A_289, %dma_wait3A_290, %dma_wait3A_291] : memref<4x2x128xi32, #tpu.memory_space<vmem>> -> memref<1x1x128xi32, #tpu.memory_space<vmem>>
        %dma_wait3A_293 = tpu.memref_squeeze %dma_wait3A_292 : memref<1x1x128xi32, #tpu.memory_space<vmem>> -> memref<128xi32, #tpu.memory_space<vmem>>
        %dma_wait3A_294 = arith.constant 0 : i32
        %dma_wait3A_295 = arith.constant 0 : i32
        %dma_wait3A_296 = tpu.memref_slice %arg2[%dma_wait3A_294, %dma_wait3A_295] : memref<10000x128xf32, #tpu.memory_space<hbm>> -> memref<10000x128xf32, #tpu.memory_space<hbm>>
        tpu.wait_indirect_dma semaphore(%arg9 : memref<!tpu.dma_semaphore, #tpu.memory_space<semaphore_mem>>) src(%dma_wait3A_296 : memref<10000x128xf32, #tpu.memory_space<hbm>>) dst(%arg6 : memref<128x128xf32, #tpu.memory_space<vmem>>)
        %run_scoped3A = arith.constant 0 : i32
        %run_scoped3A_297 = arith.constant 1 : i32
        "tpu.region"() ({
          %run_scoped3A_310 = tpu.sem_alloc : memref<!tpu.dma_semaphore, #tpu.memory_space<semaphore_mem>>
          %dma_start3A_311 = arith.constant 0 : i32
          %dma_start3A_312 = tpu.memref_slice %arg5[%run_scoped3A, %run_scoped3A_297, %dma_start3A_311] : memref<4x2x128xi32, #tpu.memory_space<vmem>> -> memref<1x1x128xi32, #tpu.memory_space<vmem>>
          %dma_start3A_313 = tpu.memref_squeeze %dma_start3A_312 : memref<1x1x128xi32, #tpu.memory_space<vmem>> -> memref<128xi32, #tpu.memory_space<vmem>>
          %dma_start3A_314 = arith.constant 0 : i32
          %dma_start3A_315 = arith.constant 0 : i32
          %dma_start3A_316 = tpu.memref_slice %arg8[%dma_start3A_314, %dma_start3A_315] : memref<10240x128xf32, #tpu.memory_space<vmem_shared>> -> memref<10240x128xf32, #tpu.memory_space<vmem_shared>>
          tpu.enqueue_indirect_dma source(%arg6 : memref<128x128xf32, #tpu.memory_space<vmem>>) target(%dma_start3A_316 : memref<10240x128xf32, #tpu.memory_space<vmem_shared>>) offsets(%dma_start3A_313 : memref<128xi32, #tpu.memory_space<vmem>>) semaphore(%run_scoped3A_310 : memref<!tpu.dma_semaphore, #tpu.memory_space<semaphore_mem>>) {add = true}
          %dma_wait3A_317 = arith.constant 0 : i32
          %dma_wait3A_318 = tpu.memref_slice %arg5[%run_scoped3A, %run_scoped3A_297, %dma_wait3A_317] : memref<4x2x128xi32, #tpu.memory_space<vmem>> -> memref<1x1x128xi32, #tpu.memory_space<vmem>>
          %dma_wait3A_319 = tpu.memref_squeeze %dma_wait3A_318 : memref<1x1x128xi32, #tpu.memory_space<vmem>> -> memref<128xi32, #tpu.memory_space<vmem>>
          %dma_wait3A_320 = arith.constant 0 : i32
          %dma_wait3A_321 = arith.constant 0 : i32
          %dma_wait3A_322 = tpu.memref_slice %arg8[%dma_wait3A_320, %dma_wait3A_321] : memref<10240x128xf32, #tpu.memory_space<vmem_shared>> -> memref<10240x128xf32, #tpu.memory_space<vmem_shared>>
          tpu.wait_indirect_dma semaphore(%run_scoped3A_310 : memref<!tpu.dma_semaphore, #tpu.memory_space<semaphore_mem>>) src(%arg6 : memref<128x128xf32, #tpu.memory_space<vmem>>) dst(%dma_wait3A_322 : memref<10240x128xf32, #tpu.memory_space<vmem_shared>>)
          tpu.yield
        }) : () -> ()
        %add3A_298 = arith.constant 4 : i32
        %add3A_299 = arith.addi %sub3A_198, %add3A_298 : i32
        %lt3A_300 = arith.cmpi slt, %add3A_299, %add3A_8 : i32
        %convert_element_type3A_301 = arith.extui %lt3A_300 : i1 to i32
        %cond3A_302 = arith.constant 0 : i32
        %cond3A_303 = arith.cmpi ne, %convert_element_type3A_301, %cond3A_302 : i32
        scf.if %cond3A_303 {
          %add3A_310 = arith.constant 4 : i32
          %add3A_311 = arith.addi %sub3A_198, %add3A_310 : i32
          %add3A_312 = arith.addi %add3A_4, %add3A_311 : i32
          %mul3A_313 = arith.constant 128 : i32
          %mul3A_314 = arith.muli %add3A_312, %mul3A_313 : i32
          %dma_start3A_315 = arith.constant 0 : i32
          %dma_start3A_316 = arith.constant 0 : i32
          %dma_start3A_317 = arith.constant 0 : i32
          %dma_start3A_318 = tpu.memref_slice %arg5[%dma_start3A_315, %dma_start3A_316, %dma_start3A_317] : memref<4x2x128xi32, #tpu.memory_space<vmem>> -> memref<1x2x128xi32, #tpu.memory_space<vmem>>
          %dma_start3A_319 = tpu.memref_squeeze %dma_start3A_318 : memref<1x2x128xi32, #tpu.memory_space<vmem>> -> memref<2x128xi32, #tpu.memory_space<vmem>>
          %dma_start3A_320 = arith.constant 0 : i32
          %dma_start3A_321 = tpu.memref_slice %arg3[%dma_start3A_320, %mul3A_314] : memref<2x320000xi32, #tpu.memory_space<hbm>> -> memref<2x128xi32, #tpu.memory_space<hbm>>
          %dma_start3A_322 = arith.constant 0 : i32
          %dma_start3A_323 = arith.constant 0 : i32
          %dma_start3A_324 = tpu.memref_slice %arg5[%dma_start3A_315, %dma_start3A_322, %dma_start3A_323] : memref<4x2x128xi32, #tpu.memory_space<vmem>> -> memref<1x2x128xi32, #tpu.memory_space<vmem>>
          %dma_start3A_325 = tpu.memref_squeeze %dma_start3A_324 : memref<1x2x128xi32, #tpu.memory_space<vmem>> -> memref<2x128xi32, #tpu.memory_space<vmem>>
          %dma_start3A_326 = arith.constant 0 : i32
          %dma_start3A_327 = tpu.memref_slice %arg3[%dma_start3A_326, %mul3A_314] : memref<2x320000xi32, #tpu.memory_space<hbm>> -> memref<2x128xi32, #tpu.memory_space<hbm>>
          tpu.enqueue_dma source(%dma_start3A_327 : memref<2x128xi32, #tpu.memory_space<hbm>>) target(%dma_start3A_325 : memref<2x128xi32, #tpu.memory_space<vmem>>) target_semaphore(%arg11 : memref<!tpu.dma_semaphore, #tpu.memory_space<semaphore_mem>>)
        } else {
        }
        %add3A_304 = arith.constant 2 : i32
        %add3A_305 = arith.addi %sub3A_198, %add3A_304 : i32
        %lt3A_306 = arith.cmpi slt, %add3A_305, %add3A_8 : i32
        %convert_element_type3A_307 = arith.extui %lt3A_306 : i1 to i32
        %cond3A_308 = arith.constant 0 : i32
        %cond3A_309 = arith.cmpi ne, %convert_element_type3A_307, %cond3A_308 : i32
        scf.if %cond3A_309 {
          %dma_wait3A_310 = arith.constant 1 : i32
          %dma_wait3A_311 = arith.constant 0 : i32
          %dma_wait3A_312 = arith.constant 0 : i32
          %dma_wait3A_313 = tpu.memref_slice %arg5[%dma_wait3A_310, %dma_wait3A_311, %dma_wait3A_312] : memref<4x2x128xi32, #tpu.memory_space<vmem>> -> memref<1x2x128xi32, #tpu.memory_space<vmem>>
          %dma_wait3A_314 = tpu.memref_squeeze %dma_wait3A_313 : memref<1x2x128xi32, #tpu.memory_space<vmem>> -> memref<2x128xi32, #tpu.memory_space<vmem>>
          %dma_wait3A_315 = arith.constant 0 : i32
          %dma_wait3A_316 = arith.constant 0 : i32
          %dma_wait3A_317 = tpu.memref_slice %arg3[%dma_wait3A_315, %dma_wait3A_316] : memref<2x320000xi32, #tpu.memory_space<hbm>> -> memref<2x128xi32, #tpu.memory_space<hbm>>
          %dma_wait3A_318 = arith.constant 0 : i32
          %dma_wait3A_319 = arith.constant 0 : i32
          %dma_wait3A_320 = tpu.memref_slice %arg5[%dma_wait3A_310, %dma_wait3A_318, %dma_wait3A_319] : memref<4x2x128xi32, #tpu.memory_space<vmem>> -> memref<1x2x128xi32, #tpu.memory_space<vmem>>
          %dma_wait3A_321 = tpu.memref_squeeze %dma_wait3A_320 : memref<1x2x128xi32, #tpu.memory_space<vmem>> -> memref<2x128xi32, #tpu.memory_space<vmem>>
          %dma_wait3A_322 = arith.constant 0 : i32
          %dma_wait3A_323 = arith.constant 0 : i32
          %dma_wait3A_324 = tpu.memref_slice %arg3[%dma_wait3A_322, %dma_wait3A_323] : memref<2x320000xi32, #tpu.memory_space<hbm>> -> memref<2x128xi32, #tpu.memory_space<hbm>>
          tpu.wait_dma2 semaphore(%arg12 : memref<!tpu.dma_semaphore, #tpu.memory_space<semaphore_mem>>) src(%dma_wait3A_324 : memref<2x128xi32, #tpu.memory_space<hbm>>) dst(%dma_wait3A_321 : memref<2x128xi32, #tpu.memory_space<vmem>>)
          %dma_start3A_325 = arith.constant 1 : i32
          %dma_start3A_326 = arith.constant 0 : i32
          %dma_start3A_327 = arith.constant 0 : i32
          %dma_start3A_328 = tpu.memref_slice %arg5[%dma_start3A_325, %dma_start3A_326, %dma_start3A_327] : memref<4x2x128xi32, #tpu.memory_space<vmem>> -> memref<1x1x128xi32, #tpu.memory_space<vmem>>
          %dma_start3A_329 = tpu.memref_squeeze %dma_start3A_328 : memref<1x1x128xi32, #tpu.memory_space<vmem>> -> memref<128xi32, #tpu.memory_space<vmem>>
          %dma_start3A_330 = arith.constant 0 : i32
          %dma_start3A_331 = arith.constant 0 : i32
          %dma_start3A_332 = tpu.memref_slice %arg2[%dma_start3A_330, %dma_start3A_331] : memref<10000x128xf32, #tpu.memory_space<hbm>> -> memref<10000x128xf32, #tpu.memory_space<hbm>>
          tpu.enqueue_indirect_dma source(%dma_start3A_332 : memref<10000x128xf32, #tpu.memory_space<hbm>>) target(%arg6 : memref<128x128xf32, #tpu.memory_space<vmem>>) offsets(%dma_start3A_329 : memref<128xi32, #tpu.memory_space<vmem>>) semaphore(%arg9 : memref<!tpu.dma_semaphore, #tpu.memory_space<semaphore_mem>>)
        } else {
        }
      } else {
      }
      %jit3A_244 = arith.constant 2 : i32
      %div3A_245 = arith.divsi %sub3A_198, %jit3A_244 : i32
      %sign3A_246 = arith.constant 0 : i32
      %sign3A_247 = arith.cmpi sgt, %sub3A_198, %sign3A_246 : i32
      %sign3A_248 = arith.extui %sign3A_247 : i1 to i32
      %sign3A_249 = arith.constant 0 : i32
      %sign3A_250 = arith.cmpi slt, %sub3A_198, %sign3A_249 : i32
      %sign3A_251 = arith.extui %sign3A_250 : i1 to i32
      %sign3A_252 = arith.subi %sign3A_248, %sign3A_251 : i32
      %sign3A_253 = arith.constant 0 : i32
      %sign3A_254 = arith.cmpi sgt, %jit3A_244, %sign3A_253 : i32
      %sign3A_255 = arith.extui %sign3A_254 : i1 to i32
      %sign3A_256 = arith.constant 0 : i32
      %sign3A_257 = arith.cmpi slt, %jit3A_244, %sign3A_256 : i32
      %sign3A_258 = arith.extui %sign3A_257 : i1 to i32
      %sign3A_259 = arith.subi %sign3A_255, %sign3A_258 : i32
      %ne3A_260 = arith.cmpi ne, %sign3A_252, %sign3A_259 : i32
      %rem3A_261 = arith.remsi %sub3A_198, %jit3A_244 : i32
      %ne3A_262 = arith.constant 0 : i32
      %ne3A_263 = arith.cmpi ne, %rem3A_261, %ne3A_262 : i32
      %and3A_264 = arith.andi %ne3A_260, %ne3A_263 : i1
      %sub3A_265 = arith.constant 1 : i32
      %sub3A_266 = arith.subi %div3A_245, %sub3A_265 : i32
      %select_n3A_267 = arith.select %and3A_264, %sub3A_266, %div3A_245 : i32
      %jit3A_268 = arith.constant 2 : i32
      %eq3A_269 = arith.constant 0 : i32
      %eq3A_270 = arith.cmpi eq, %jit3A_268, %eq3A_269 : i32
      %jit3A_271 = arith.constant 1 : i32
      %select_n3A_272 = arith.select %eq3A_270, %jit3A_271, %jit3A_268 : i32
      %rem3A_273 = arith.remsi %select_n3A_267, %select_n3A_272 : i32
      %ne3A_274 = arith.constant 0 : i32
      %ne3A_275 = arith.cmpi ne, %rem3A_273, %ne3A_274 : i32
      %lt3A_276 = arith.constant 0 : i32
      %lt3A_277 = arith.cmpi slt, %rem3A_273, %lt3A_276 : i32
      %lt3A_278 = arith.constant 0 : i32
      %lt3A_279 = arith.cmpi slt, %select_n3A_272, %lt3A_278 : i32
      %ne3A_280 = arith.xori %lt3A_277, %lt3A_279 : i1
      %and3A_281 = arith.andi %ne3A_280, %ne3A_275 : i1
      %add3A_282 = arith.addi %rem3A_273, %select_n3A_272 : i32
      %select_n3A_283 = arith.select %and3A_281, %add3A_282, %rem3A_273 : i32
      %eq3A_284 = arith.constant 1 : i32
      %eq3A_285 = arith.cmpi eq, %select_n3A_283, %eq3A_284 : i32
      %convert_element_type3A_286 = arith.extui %eq3A_285 : i1 to i32
      %cond3A_287 = arith.constant 0 : i32
      %cond3A_288 = arith.cmpi ne, %convert_element_type3A_286, %cond3A_287 : i32
      scf.if %cond3A_288 {
        %dma_wait3A_289 = arith.constant 1 : i32
        %dma_wait3A_290 = arith.constant 0 : i32
        %dma_wait3A_291 = arith.constant 0 : i32
        %dma_wait3A_292 = tpu.memref_slice %arg5[%dma_wait3A_289, %dma_wait3A_290, %dma_wait3A_291] : memref<4x2x128xi32, #tpu.memory_space<vmem>> -> memref<1x1x128xi32, #tpu.memory_space<vmem>>
        %dma_wait3A_293 = tpu.memref_squeeze %dma_wait3A_292 : memref<1x1x128xi32, #tpu.memory_space<vmem>> -> memref<128xi32, #tpu.memory_space<vmem>>
        %dma_wait3A_294 = arith.constant 0 : i32
        %dma_wait3A_295 = arith.constant 0 : i32
        %dma_wait3A_296 = tpu.memref_slice %arg2[%dma_wait3A_294, %dma_wait3A_295] : memref<10000x128xf32, #tpu.memory_space<hbm>> -> memref<10000x128xf32, #tpu.memory_space<hbm>>
        tpu.wait_indirect_dma semaphore(%arg9 : memref<!tpu.dma_semaphore, #tpu.memory_space<semaphore_mem>>) src(%dma_wait3A_296 : memref<10000x128xf32, #tpu.memory_space<hbm>>) dst(%arg6 : memref<128x128xf32, #tpu.memory_space<vmem>>)
        %run_scoped3A = arith.constant 1 : i32
        %run_scoped3A_297 = arith.constant 1 : i32
        "tpu.region"() ({
          %run_scoped3A_310 = tpu.sem_alloc : memref<!tpu.dma_semaphore, #tpu.memory_space<semaphore_mem>>
          %dma_start3A_311 = arith.constant 0 : i32
          %dma_start3A_312 = tpu.memref_slice %arg5[%run_scoped3A, %run_scoped3A_297, %dma_start3A_311] : memref<4x2x128xi32, #tpu.memory_space<vmem>> -> memref<1x1x128xi32, #tpu.memory_space<vmem>>
          %dma_start3A_313 = tpu.memref_squeeze %dma_start3A_312 : memref<1x1x128xi32, #tpu.memory_space<vmem>> -> memref<128xi32, #tpu.memory_space<vmem>>
          %dma_start3A_314 = arith.constant 0 : i32
          %dma_start3A_315 = arith.constant 0 : i32
          %dma_start3A_316 = tpu.memref_slice %arg8[%dma_start3A_314, %dma_start3A_315] : memref<10240x128xf32, #tpu.memory_space<vmem_shared>> -> memref<10240x128xf32, #tpu.memory_space<vmem_shared>>
          tpu.enqueue_indirect_dma source(%arg6 : memref<128x128xf32, #tpu.memory_space<vmem>>) target(%dma_start3A_316 : memref<10240x128xf32, #tpu.memory_space<vmem_shared>>) offsets(%dma_start3A_313 : memref<128xi32, #tpu.memory_space<vmem>>) semaphore(%run_scoped3A_310 : memref<!tpu.dma_semaphore, #tpu.memory_space<semaphore_mem>>) {add = true}
          %dma_wait3A_317 = arith.constant 0 : i32
          %dma_wait3A_318 = tpu.memref_slice %arg5[%run_scoped3A, %run_scoped3A_297, %dma_wait3A_317] : memref<4x2x128xi32, #tpu.memory_space<vmem>> -> memref<1x1x128xi32, #tpu.memory_space<vmem>>
          %dma_wait3A_319 = tpu.memref_squeeze %dma_wait3A_318 : memref<1x1x128xi32, #tpu.memory_space<vmem>> -> memref<128xi32, #tpu.memory_space<vmem>>
          %dma_wait3A_320 = arith.constant 0 : i32
          %dma_wait3A_321 = arith.constant 0 : i32
          %dma_wait3A_322 = tpu.memref_slice %arg8[%dma_wait3A_320, %dma_wait3A_321] : memref<10240x128xf32, #tpu.memory_space<vmem_shared>> -> memref<10240x128xf32, #tpu.memory_space<vmem_shared>>
          tpu.wait_indirect_dma semaphore(%run_scoped3A_310 : memref<!tpu.dma_semaphore, #tpu.memory_space<semaphore_mem>>) src(%arg6 : memref<128x128xf32, #tpu.memory_space<vmem>>) dst(%dma_wait3A_322 : memref<10240x128xf32, #tpu.memory_space<vmem_shared>>)
          tpu.yield
        }) : () -> ()
        %add3A_298 = arith.constant 4 : i32
        %add3A_299 = arith.addi %sub3A_198, %add3A_298 : i32
        %lt3A_300 = arith.cmpi slt, %add3A_299, %add3A_8 : i32
        %convert_element_type3A_301 = arith.extui %lt3A_300 : i1 to i32
        %cond3A_302 = arith.constant 0 : i32
        %cond3A_303 = arith.cmpi ne, %convert_element_type3A_301, %cond3A_302 : i32
        scf.if %cond3A_303 {
          %add3A_310 = arith.constant 4 : i32
          %add3A_311 = arith.addi %sub3A_198, %add3A_310 : i32
          %add3A_312 = arith.addi %add3A_4, %add3A_311 : i32
          %mul3A_313 = arith.constant 128 : i32
          %mul3A_314 = arith.muli %add3A_312, %mul3A_313 : i32
          %dma_start3A_315 = arith.constant 1 : i32
          %dma_start3A_316 = arith.constant 0 : i32
          %dma_start3A_317 = arith.constant 0 : i32
          %dma_start3A_318 = tpu.memref_slice %arg5[%dma_start3A_315, %dma_start3A_316, %dma_start3A_317] : memref<4x2x128xi32, #tpu.memory_space<vmem>> -> memref<1x2x128xi32, #tpu.memory_space<vmem>>
          %dma_start3A_319 = tpu.memref_squeeze %dma_start3A_318 : memref<1x2x128xi32, #tpu.memory_space<vmem>> -> memref<2x128xi32, #tpu.memory_space<vmem>>
          %dma_start3A_320 = arith.constant 0 : i32
          %dma_start3A_321 = tpu.memref_slice %arg3[%dma_start3A_320, %mul3A_314] : memref<2x320000xi32, #tpu.memory_space<hbm>> -> memref<2x128xi32, #tpu.memory_space<hbm>>
          %dma_start3A_322 = arith.constant 0 : i32
          %dma_start3A_323 = arith.constant 0 : i32
          %dma_start3A_324 = tpu.memref_slice %arg5[%dma_start3A_315, %dma_start3A_322, %dma_start3A_323] : memref<4x2x128xi32, #tpu.memory_space<vmem>> -> memref<1x2x128xi32, #tpu.memory_space<vmem>>
          %dma_start3A_325 = tpu.memref_squeeze %dma_start3A_324 : memref<1x2x128xi32, #tpu.memory_space<vmem>> -> memref<2x128xi32, #tpu.memory_space<vmem>>
          %dma_start3A_326 = arith.constant 0 : i32
          %dma_start3A_327 = tpu.memref_slice %arg3[%dma_start3A_326, %mul3A_314] : memref<2x320000xi32, #tpu.memory_space<hbm>> -> memref<2x128xi32, #tpu.memory_space<hbm>>
          tpu.enqueue_dma source(%dma_start3A_327 : memref<2x128xi32, #tpu.memory_space<hbm>>) target(%dma_start3A_325 : memref<2x128xi32, #tpu.memory_space<vmem>>) target_semaphore(%arg12 : memref<!tpu.dma_semaphore, #tpu.memory_space<semaphore_mem>>)
        } else {
        }
        %add3A_304 = arith.constant 2 : i32
        %add3A_305 = arith.addi %sub3A_198, %add3A_304 : i32
        %lt3A_306 = arith.cmpi slt, %add3A_305, %add3A_8 : i32
        %convert_element_type3A_307 = arith.extui %lt3A_306 : i1 to i32
        %cond3A_308 = arith.constant 0 : i32
        %cond3A_309 = arith.cmpi ne, %convert_element_type3A_307, %cond3A_308 : i32
        scf.if %cond3A_309 {
          %dma_wait3A_310 = arith.constant 0 : i32
          %dma_wait3A_311 = arith.constant 0 : i32
          %dma_wait3A_312 = arith.constant 0 : i32
          %dma_wait3A_313 = tpu.memref_slice %arg5[%dma_wait3A_310, %dma_wait3A_311, %dma_wait3A_312] : memref<4x2x128xi32, #tpu.memory_space<vmem>> -> memref<1x2x128xi32, #tpu.memory_space<vmem>>
          %dma_wait3A_314 = tpu.memref_squeeze %dma_wait3A_313 : memref<1x2x128xi32, #tpu.memory_space<vmem>> -> memref<2x128xi32, #tpu.memory_space<vmem>>
          %dma_wait3A_315 = arith.constant 0 : i32
          %dma_wait3A_316 = arith.constant 0 : i32
          %dma_wait3A_317 = tpu.memref_slice %arg3[%dma_wait3A_315, %dma_wait3A_316] : memref<2x320000xi32, #tpu.memory_space<hbm>> -> memref<2x128xi32, #tpu.memory_space<hbm>>
          %dma_wait3A_318 = arith.constant 0 : i32
          %dma_wait3A_319 = arith.constant 0 : i32
          %dma_wait3A_320 = tpu.memref_slice %arg5[%dma_wait3A_310, %dma_wait3A_318, %dma_wait3A_319] : memref<4x2x128xi32, #tpu.memory_space<vmem>> -> memref<1x2x128xi32, #tpu.memory_space<vmem>>
          %dma_wait3A_321 = tpu.memref_squeeze %dma_wait3A_320 : memref<1x2x128xi32, #tpu.memory_space<vmem>> -> memref<2x128xi32, #tpu.memory_space<vmem>>
          %dma_wait3A_322 = arith.constant 0 : i32
          %dma_wait3A_323 = arith.constant 0 : i32
          %dma_wait3A_324 = tpu.memref_slice %arg3[%dma_wait3A_322, %dma_wait3A_323] : memref<2x320000xi32, #tpu.memory_space<hbm>> -> memref<2x128xi32, #tpu.memory_space<hbm>>
          tpu.wait_dma2 semaphore(%arg11 : memref<!tpu.dma_semaphore, #tpu.memory_space<semaphore_mem>>) src(%dma_wait3A_324 : memref<2x128xi32, #tpu.memory_space<hbm>>) dst(%dma_wait3A_321 : memref<2x128xi32, #tpu.memory_space<vmem>>)
          %dma_start3A_325 = arith.constant 0 : i32
          %dma_start3A_326 = arith.constant 0 : i32
          %dma_start3A_327 = arith.constant 0 : i32
          %dma_start3A_328 = tpu.memref_slice %arg5[%dma_start3A_325, %dma_start3A_326, %dma_start3A_327] : memref<4x2x128xi32, #tpu.memory_space<vmem>> -> memref<1x1x128xi32, #tpu.memory_space<vmem>>
          %dma_start3A_329 = tpu.memref_squeeze %dma_start3A_328 : memref<1x1x128xi32, #tpu.memory_space<vmem>> -> memref<128xi32, #tpu.memory_space<vmem>>
          %dma_start3A_330 = arith.constant 0 : i32
          %dma_start3A_331 = arith.constant 0 : i32
          %dma_start3A_332 = tpu.memref_slice %arg2[%dma_start3A_330, %dma_start3A_331] : memref<10000x128xf32, #tpu.memory_space<hbm>> -> memref<10000x128xf32, #tpu.memory_space<hbm>>
          tpu.enqueue_indirect_dma source(%dma_start3A_332 : memref<10000x128xf32, #tpu.memory_space<hbm>>) target(%arg6 : memref<128x128xf32, #tpu.memory_space<vmem>>) offsets(%dma_start3A_329 : memref<128xi32, #tpu.memory_space<vmem>>) semaphore(%arg9 : memref<!tpu.dma_semaphore, #tpu.memory_space<semaphore_mem>>)
        } else {
        }
      } else {
      }
    } else {
    }
    %barrier3A_192 = arith.constant 0 : index
    tpu.barrier barrier_id(%barrier3A_192)
    %mul3A_193 = arith.constant 640 : i32
    %mul3A_194 = arith.muli %arg1, %mul3A_193 : i32
    %mul3A_195 = arith.constant 640 : i32
    %mul3A_196 = arith.muli %arg1, %mul3A_195 : i32
    "tpu.region"() ({
      %run_scoped3A = tpu.sem_alloc : memref<!tpu.dma_semaphore, #tpu.memory_space<semaphore_mem>>
      %dma_start3A_197 = arith.constant 0 : i32
      %dma_start3A_198 = tpu.memref_slice %arg4[%arg0, %mul3A_196, %dma_start3A_197] : memref<2x10240x128xf32, #tpu.memory_space<hbm>> -> memref<1x640x128xf32, #tpu.memory_space<hbm>>
      %dma_start3A_199 = tpu.memref_squeeze %dma_start3A_198 : memref<1x640x128xf32, #tpu.memory_space<hbm>> -> memref<640x128xf32, #tpu.memory_space<hbm>>
      %dma_start3A_200 = arith.constant 0 : i32
      %dma_start3A_201 = tpu.memref_slice %arg8[%mul3A_194, %dma_start3A_200] : memref<10240x128xf32, #tpu.memory_space<vmem_shared>> -> memref<640x128xf32, #tpu.memory_space<vmem_shared>>
      tpu.enqueue_dma source(%dma_start3A_201 : memref<640x128xf32, #tpu.memory_space<vmem_shared>>) target(%dma_start3A_199 : memref<640x128xf32, #tpu.memory_space<hbm>>) target_semaphore(%run_scoped3A : memref<!tpu.dma_semaphore, #tpu.memory_space<semaphore_mem>>)
      %dma_wait3A_202 = arith.constant 0 : i32
      %dma_wait3A_203 = tpu.memref_slice %arg4[%arg0, %mul3A_196, %dma_wait3A_202] : memref<2x10240x128xf32, #tpu.memory_space<hbm>> -> memref<1x640x128xf32, #tpu.memory_space<hbm>>
      %dma_wait3A_204 = tpu.memref_squeeze %dma_wait3A_203 : memref<1x640x128xf32, #tpu.memory_space<hbm>> -> memref<640x128xf32, #tpu.memory_space<hbm>>
      %dma_wait3A_205 = arith.constant 0 : i32
      %dma_wait3A_206 = tpu.memref_slice %arg8[%mul3A_194, %dma_wait3A_205] : memref<10240x128xf32, #tpu.memory_space<vmem_shared>> -> memref<640x128xf32, #tpu.memory_space<vmem_shared>>
      tpu.wait_dma2 semaphore(%run_scoped3A : memref<!tpu.dma_semaphore, #tpu.memory_space<semaphore_mem>>) src(%dma_wait3A_206 : memref<640x128xf32, #tpu.memory_space<vmem_shared>>) dst(%dma_wait3A_204 : memref<640x128xf32, #tpu.memory_space<hbm>>)
      tpu.yield
    }) : () -> ()
    return
  }
}

module attributes {stable_mosaic.version = 14 : i64} {
  func.func @_epilogue_body(%arg0: i32, %arg1: memref<2x1000x128xf32, #tpu.memory_space<vmem>>, %arg2: memref<1000x1xf32, #tpu.memory_space<vmem>>, %arg3: memref<1x128xf32, #tpu.memory_space<vmem>>, %arg4: memref<1000x128xf32, #tpu.memory_space<vmem>>) attributes {dimension_semantics = [#tpu.dimension_semantics<arbitrary>], iteration_bounds = array<i64: 10>, scalar_prefetch = 0 : i64, scratch_operands = 0 : i64, tpu.core_type = #tpu.core_type<tc>, window_params = [{transform_indices = @transform_0, window_bounds = array<i64: 2, 1000, 128>}, {transform_indices = @transform_1, window_bounds = array<i64: 1000, 1>}, {pipeline_mode = #tpu.pipeline_mode<synchronous>, transform_indices = @transform_2, window_bounds = array<i64: 1, 128>}, {transform_indices = @transform_3, window_bounds = array<i64: 1000, 128>}]} {
    %get3A = arith.constant 0 : index
    %get3A_0 = arith.constant 0 : index
    %get3A_1 = arith.constant 0 : index
    %get3A_2 = vector.load %arg1[%get3A, %get3A_0, %get3A_1] : memref<2x1000x128xf32, #tpu.memory_space<vmem>>, vector<1x1000x128xf32>
    %get3A_3 = vector.shape_cast %get3A_2 : vector<1x1000x128xf32> to vector<1000x128xf32>
    %get3A_4 = arith.constant 1 : index
    %get3A_5 = arith.constant 0 : index
    %get3A_6 = arith.constant 0 : index
    %get3A_7 = vector.load %arg1[%get3A_4, %get3A_5, %get3A_6] : memref<2x1000x128xf32, #tpu.memory_space<vmem>>, vector<1x1000x128xf32>
    %get3A_8 = vector.shape_cast %get3A_7 : vector<1x1000x128xf32> to vector<1000x128xf32>
    %add3A = arith.addf %get3A_3, %get3A_8 : vector<1000x128xf32>
    %get3A_9 = arith.constant 0 : index
    %get3A_10 = arith.constant 0 : index
    %get3A_11 = vector.load %arg2[%get3A_9, %get3A_10] : memref<1000x1xf32, #tpu.memory_space<vmem>>, vector<1000x1xf32>
    %mul3A = vector.broadcast %get3A_11 : vector<1000x1xf32> to vector<1000x128xf32>
    %mul3A_12 = arith.mulf %add3A, %mul3A : vector<1000x128xf32>
    %get3A_13 = arith.constant 0 : index
    %get3A_14 = arith.constant 0 : index
    %get3A_15 = vector.load %arg3[%get3A_13, %get3A_14] : memref<1x128xf32, #tpu.memory_space<vmem>>, vector<1x128xf32>
    %add3A_16 = vector.broadcast %get3A_15 : vector<1x128xf32> to vector<1000x128xf32>
    %add3A_17 = arith.addf %mul3A_12, %add3A_16 : vector<1000x128xf32>
    %max3A = arith.constant 0.000000e+00 : f32
    %max3A_18 = vector.broadcast %max3A : f32 to vector<1000x128xf32>
    %max3A_19 = arith.maximumf %add3A_17, %max3A_18 : vector<1000x128xf32>
    %swap3A = arith.constant 0 : index
    %swap3A_20 = arith.constant 0 : index
    %swap3A_21 = vector.load %arg4[%swap3A, %swap3A_20] : memref<1000x128xf32, #tpu.memory_space<vmem>>, vector<1000x128xf32>
    tpu.vector_store %arg4[%swap3A, %swap3A_20], %max3A_19 {strides = array<i32>} : memref<1000x128xf32, #tpu.memory_space<vmem>>, vector<1000x128xf32>,
    return
  }
  func.func @transform_0(%arg0: i32) -> (i32, i32, i32) {
    %c0_i32 = arith.constant 0 : i32
    %c0_i32_0 = arith.constant 0 : i32
    %c0_i32_1 = arith.constant 0 : i32
    return %c0_i32, %arg0, %c0_i32_0 : i32, i32, i32
  }
  func.func @transform_1(%arg0: i32) -> (i32, i32) {
    %c0_i32 = arith.constant 0 : i32
    %c0_i32_0 = arith.constant 0 : i32
    return %arg0, %c0_i32 : i32, i32
  }
  func.func @transform_2(%arg0: i32) -> (i32, i32) {
    %c0_i32 = arith.constant 0 : i32
    %c0_i32_0 = arith.constant 0 : i32
    %c0_i32_1 = arith.constant 0 : i32
    return %c0_i32, %c0_i32_0 : i32, i32
  }
  func.func @transform_3(%arg0: i32) -> (i32, i32) {
    %c0_i32 = arith.constant 0 : i32
    %c0_i32_0 = arith.constant 0 : i32
    return %arg0, %c0_i32 : i32, i32
  }
}

module attributes {stable_mosaic.version = 14 : i64} {
  func.func @_linear_body(%arg0: i32, %arg1: memref<2000x128xf32, #tpu.memory_space<vmem>>, %arg2: memref<2000x1xf32, #tpu.memory_space<vmem>>, %arg3: memref<128x128xf32, #tpu.memory_space<vmem>>, %arg4: memref<2000x128xf32, #tpu.memory_space<vmem>>) attributes {dimension_semantics = [#tpu.dimension_semantics<arbitrary>], iteration_bounds = array<i64: 5>, scalar_prefetch = 0 : i64, scratch_operands = 0 : i64, tpu.core_type = #tpu.core_type<tc>, window_params = [{transform_indices = @transform_0, window_bounds = array<i64: 2000, 128>}, {transform_indices = @transform_1, window_bounds = array<i64: 2000, 1>}, {pipeline_mode = #tpu.pipeline_mode<synchronous>, transform_indices = @transform_2, window_bounds = array<i64: 128, 128>}, {transform_indices = @transform_3, window_bounds = array<i64: 2000, 128>}]} {
    %get3A = arith.constant 0 : index
    %get3A_0 = arith.constant 0 : index
    %get3A_1 = vector.load %arg2[%get3A, %get3A_0] : memref<2000x1xf32, #tpu.memory_space<vmem>>, vector<2000x1xf32>
    %get3A_2 = arith.constant 0 : index
    %get3A_3 = arith.constant 0 : index
    %get3A_4 = vector.load %arg1[%get3A_2, %get3A_3] : memref<2000x128xf32, #tpu.memory_space<vmem>>, vector<2000x128xf32>
    %get3A_5 = arith.constant 0 : index
    %get3A_6 = arith.constant 0 : index
    %get3A_7 = vector.load %arg3[%get3A_5, %get3A_6] : memref<128x128xf32, #tpu.memory_space<vmem>>, vector<128x128xf32>
    %dot_general3A = arith.constant dense<0.000000e+00> : vector<2000x128xf32>
    %dot_general3A_8 = tpu.matmul %get3A_4, %get3A_7, %dot_general3A {dimension_numbers = #tpu.dot_dimension_numbers<[1], [0], [0], [1], [0, 0, 1, 1], [], []>, transpose_lhs_hint = false} : vector<2000x128xf32>, vector<128x128xf32>, vector<2000x128xf32> -> vector<2000x128xf32>
    %mul3A = vector.broadcast %get3A_1 : vector<2000x1xf32> to vector<2000x128xf32>
    %mul3A_9 = arith.mulf %mul3A, %dot_general3A_8 : vector<2000x128xf32>
    %swap3A = arith.constant 0 : index
    %swap3A_10 = arith.constant 0 : index
    %swap3A_11 = vector.load %arg4[%swap3A, %swap3A_10] : memref<2000x128xf32, #tpu.memory_space<vmem>>, vector<2000x128xf32>
    tpu.vector_store %arg4[%swap3A, %swap3A_10], %mul3A_9 {strides = array<i32>} : memref<2000x128xf32, #tpu.memory_space<vmem>>, vector<2000x128xf32>,
    return
  }
  func.func @transform_0(%arg0: i32) -> (i32, i32) {
    %c0_i32 = arith.constant 0 : i32
    %c0_i32_0 = arith.constant 0 : i32
    return %arg0, %c0_i32 : i32, i32
  }
  func.func @transform_1(%arg0: i32) -> (i32, i32) {
    %c0_i32 = arith.constant 0 : i32
    %c0_i32_0 = arith.constant 0 : i32
    return %arg0, %c0_i32 : i32, i32
  }
  func.func @transform_2(%arg0: i32) -> (i32, i32) {
    %c0_i32 = arith.constant 0 : i32
    %c0_i32_0 = arith.constant 0 : i32
    %c0_i32_1 = arith.constant 0 : i32
    return %c0_i32, %c0_i32_0 : i32, i32
  }
  func.func @transform_3(%arg0: i32) -> (i32, i32) {
    %c0_i32 = arith.constant 0 : i32
    %c0_i32_0 = arith.constant 0 : i32
    return %arg0, %c0_i32 : i32, i32
  }
}

</mosaic_0001>

<sc_bundles>
// kernel: kernel.5.cloned.1.call-start
scs
__scs_entry_jumppad:
0x0: {  	(pc) =	sbr.rel $0x88, $3  }
0x1: {  	(tag) =	ssettag $0x0;
	lr =	simm.s32 $0x1  }
0x2: {  	[smem:$0x3F9C] =	sst lr;
	_ =	strace $0xD0000000  }
0x3: {  	_ = 	snop  }
0x4: {  	_ = 	snop  }
0x5: {  	_ = 	snop  }
0x6: {  	_ = 	snop  }
0x7: {  	_ = 	snop  }
__scs_overlays_trampoline_lowered:
0x8: {  	[smem:$0x3FAB] =	sst s0  }
0x9: {  	[smem:$0x3FAC] =	sst s1  }
0xa: {  	[smem:$0x3FAD] =	sst s2  }
0xb: {  	[smem:$0x3FAE] =	sst s3  }
0xc: {  	[smem:$0x3FAF] =	sst s4  }
0xd: {  	[smem:$0x3FB0] =	sst s5  }
0xe: {  	[smem:$0x3FB1] =	sst s6  }
0xf: {  	[smem:$0x3FB2] =	sst s7  }
0x10: {  	[smem:$0x3FB3] =	sst s8  }
0x11: {  	[smem:$0x3FB4] =	sst s9;
	s0 =	simm.s32 @!p0 $0x0  }
0x12: {  	s1 =	sld [smem:$0x3F9A];
	s0 =	simm.s32 @p0 $0x1  }
0x13: {  	[smem:$0x3FB5] =	sst s0;
	s0 =	simm.s32 @!p1 $0x0  }
0x14: {  	s2 =	sld [smem:$0x3F99];
	s0 =	simm.s32 @p1 $0x1  }
0x15: {  	[smem:$0x3FB6] =	sst s0;
	s0 =	simm.s32 @!p2 $0x0  }
0x16: {  	s3 =	sld [smem:$0x3FDB];
	s0 =	simm.s32 @p2 $0x1  }
0x17: {  	s4 =	simm.s32 $0x1BF5;
	[smem:$0x3FB8] =	sst s0  }
0x18: {  	s0 =	sld [smem:$0x3F9B];
	_ =	swait.ge [sflag:s4], $0x0  }
0x19: {  	s7 =	sld [smem:$0x3F9C]  }
0x1a: {  	s8 =	sadd.s32 $0xFFFFE003, lr  }
0x1b: {  	s9 =	sadd.s32 $0xFFFFFEF7, lr;
	s5 =	simm.s32 $0xFFFFFFFF;
	p2 =	slt.u32 s8, $0xFFFFF086  }
0x1c: {  	p1 =	slt.u32 s9, $0xF7A;
	s5 =	simm.s32 @!p2 $0x0  }
0x1d: {  	s5 =	simm.s32 @p1 $0x1;
	p0 =	seq.s32 s7, s2  }
0x1e: {  	s7 =	smul.u32 @!p0 $0xF7A, s2;
	p2 =	seq.s32 @!p0 s5, $0x0  }
0x1f: {  	s9 =	smul.u32 $0xF7A, s1;
	s8 =	simm.s32 @!p0 $0x1BF5;
	p2 =	por !p2, p0  }
0x20: {  	[sflag:s8] =	ssyncset.s32 @!p0 $0xFFFFF086;
	s6 =	sadd.s32 @!p0 s3, s7;
	s7 =	simm.s32 @!p0 $0x108  }
0x21: {  	s3 =	sadd.s32 s3, s9;
	s6 =	sadd.s32 @!p0 $0x88, s6;
	s7 =	simm.s32 @p2 $0x1082  }
0x22: {  	[simem:s7], [sflag:s8] =	dma.local @!p0 [hbm:s6], $0xF7A  }
0x23: {  	s9 =	sor.u32 $0xD0000000, s2;
	s6 =	simm.s32 $0x108;
	_ =	swait.ge @!p0 [sflag:s8], $0x0  }
0x24: {  	s3 =	sadd.s32 $0x88, s3;
	s6 =	simm.s32 @!p1 $0x1082;
	[sflag:s4] =	ssyncset.s32 $0xFFFFF086  }
0x25: {  	[simem:s6], [sflag:s4] =	dma.local [hbm:s3], $0xF7A  }
0x26: {  	[smem:$0x3F9C] =	sst s1;
	(tag) =	ssettag s2;
	_ =	strace s9  }
0x27: {  	s1 =	sld [smem:$0x3FAC]  }
0x28: {  	s2 =	sld [smem:$0x3FAD]  }
0x29: {  	s4 =	sld [smem:$0x3FAF]  }
0x2a: {  	p0 =	seq.s32 s5, $0x0;
	s5 =	sld [smem:$0x3FB0]  }
0x2b: {  	s6 =	sld [smem:$0x3FB1]  }
0x2c: {  	s7 =	sld [smem:$0x3FB2]  }
0x2d: {  	s3 =	simm.s32 $0x108;
	s8 =	sld [smem:$0x3FB3]  }
0x2e: {  	s3 =	simm.s32 @!p0 $0x1082;
	s9 =	sld [smem:$0x3FB4]  }
0x2f: {  	lr =	sadd.s32 s0, s3;
	s0 =	sld [smem:$0x3FAB]  }
0x30: {  	s3 =	sld [smem:$0x3FAE]  }
0x31: {  	[smem:$0x3FB7] =	sst s10  }
0x32: {  	s10 =	sld [smem:$0x3FB5];
	_ =	sdelay $0x3  }
0x33: {  	p0 =	seq.s32 s10, $0x1;
	s10 =	sld [smem:$0x3FB7];
	_ =	sdelay $0x3  }
0x34: {  	[smem:$0x3FB7] =	sst s10  }
0x35: {  	s10 =	sld [smem:$0x3FB6];
	_ =	sdelay $0x3  }
0x36: {  	p1 =	seq.s32 s10, $0x1;
	s10 =	sld [smem:$0x3FB7];
	_ =	sdelay $0x3  }
0x37: {  	[smem:$0x3FB7] =	sst s10  }
0x38: {  	s10 =	sld [smem:$0x3FB8]  }
0x39: {  	_ = 	snop;
	(pc) =	sbr.ind lr, $3  }
0x3a: {  	_ = 	snop  }
0x3b: {  	_ = 	snop  }
0x3c: {  	p2 =	seq.s32 s10, $0x1;
	s10 =	sld [smem:$0x3FB7]  }
0x3d: {  	_ =	shalt  }
0x3e: {  	_ =	shalt  }
0x3f: {  	_ =	shalt  }
0x40: {  	_ =	shalt  }
0x41: {  	_ =	shalt  }
0x42: {  	_ =	shalt  }
0x43: {  	_ =	shalt  }
0x44: {  	_ =	shalt  }
0x45: {  	_ =	shalt  }
0x46: {  	_ =	shalt  }
0x47: {  	_ =	shalt  }
0x48: {  	_ =	shalt  }
0x49: {  	_ =	shalt  }
0x4a: {  	_ =	shalt  }
0x4b: {  	_ =	shalt  }
0x4c: {  	_ =	shalt  }
0x4d: {  	_ =	shalt  }
0x4e: {  	_ =	shalt  }
0x4f: {  	_ =	shalt  }
0x50: {  	_ =	shalt  }
0x51: {  	_ =	shalt  }
0x52: {  	_ =	shalt  }
0x53: {  	_ =	shalt  }
0x54: {  	_ =	shalt  }
0x55: {  	_ =	shalt  }
0x56: {  	_ =	shalt  }
0x57: {  	_ =	shalt  }
0x58: {  	_ =	shalt  }
0x59: {  	_ =	shalt  }
0x5a: {  	_ =	shalt  }
0x5b: {  	_ =	shalt  }
0x5c: {  	_ =	shalt  }
0x5d: {  	_ =	shalt  }
0x5e: {  	_ =	shalt  }
0x5f: {  	_ =	shalt  }
0x60: {  	_ =	shalt  }
0x61: {  	_ =	shalt  }
0x62: {  	_ =	shalt  }
0x63: {  	_ =	shalt  }
0x64: {  	_ =	shalt  }
0x65: {  	_ =	shalt  }
0x66: {  	_ =	shalt  }
0x67: {  	_ =	shalt  }
0x68: {  	_ =	shalt  }
0x69: {  	_ =	shalt  }
0x6a: {  	_ =	shalt  }
0x6b: {  	_ =	shalt  }
0x6c: {  	_ =	shalt  }
0x6d: {  	_ =	shalt  }
0x6e: {  	_ =	shalt  }
0x6f: {  	_ =	shalt  }
0x70: {  	_ =	shalt  }
0x71: {  	_ =	shalt  }
0x72: {  	_ =	shalt  }
0x73: {  	_ =	shalt  }
0x74: {  	_ =	shalt  }
0x75: {  	_ =	shalt  }
0x76: {  	_ =	shalt  }
0x77: {  	_ =	shalt  }
0x78: {  	_ =	shalt  }
0x79: {  	_ =	shalt  }
0x7a: {  	_ =	shalt  }
0x7b: {  	_ =	shalt  }
0x7c: {  	_ =	shalt  }
0x7d: {  	_ =	shalt  }
0x7e: {  	_ =	shalt  }
0x7f: {  	_ =	shalt  }
0x80: {  	_ =	shalt  }
0x81: {  	_ =	shalt  }
0x82: {  	_ =	shalt  }
0x83: {  	_ =	shalt  }
0x84: {  	_ =	shalt  }
0x85: {  	_ =	shalt  }
0x86: {  	_ =	shalt  }
0x87: {  	_ =	shalt  }
.Lfunc_end0:
.L_simem_size_0:
called_computation_lowered:
.L_overlay_start_0:
0x88: {  	s2 =	sld [smem:$0x3FD9]  }
0x89: {  	s3 =	sld [smem:$0x3FFE];
	_ =	sdelay $0x1  }
0x8a: {  	s1 =	srdreg.scid  }
0x8b: {  	s0 =	sand.u32 $0x1, s1  }
0x8c: {  	s17 =	sshll.u32 s0, $0xA;
	s2 =	sadd.s32 s3, s2  }
0x8d: {  	s2 =	sadd.s32 s2, s17  }
0x8e: {  	[smem:$0x3FC3] =	sst s2  }
0x8f: {  	_ = 	snop  }
0x90: {  	s2 =	sld [smem:$0x3FC8]  }
0x91: {  	s18 =	sld [smem:$0x3FD0];
	(tm) =	ssettm $0x1  }
0x92: {  	s4 =	sld [smem:$0x3FFB];
	_ =	sdelay $0x3  }
0x93: {  	_ =	strace s4  }
0x94: {  	s4 =	sld [smem:$0x3FFC];
	_ =	sdelay $0x3  }
0x95: {  	_ =	strace s4  }
0x96: {  	s4 =	sld [smem:$0x3FFD];
	_ =	sdelay $0x3  }
0x97: {  	_ =	strace s4  }
0x98: {  	_ =	strace $0x8FFFFFFF  }
0x99: {  	s19 =	sld [smem:$0x3FDB];
	_ =	sdelay $0x1  }
0x9a: {  	s5 =	simm.s32 $_scs_section_size  }
0x9b: {  	s6 =	simm.s32 $_size__tile_overlayer_lowered;
	s7 =	simm.s32 $_tile_overlayer_lowered  }
0x9c: {  	s22 =	simm.s32 $0x1BFF;
	s21 =	sshll.u32 s7, $0x1;
	s4 =	sadd.s32 s5, s19  }
0x9d: {  	s8 =	simm.s32 $0x0;
	s20 =	sshll.u32 s6, $0x1;
	s6 =	sadd.s32 s21, s4  }
0x9e: {  	[timem:s8], [sflag:s22] =	dma.local [hbm:s6], s20  }
0x9f: {  	_ =	swait.ge [sflag:s22], s20  }
0xa0: {  	s5 =	ssub.s32 $0x0, s20;
	[sflag:s22] =	ssyncset.done $0x0  }
0xa1: {  	[sflag:s22] =	ssyncadd.s32 s5;
	_ =	sdelay $0x1  }
0xa2: {  	s23 =	simm.s32 $0x1B8B  }
0xa3: {  	_ =	swait.ge [sflag:s23], $0x1  }
0xa4: {  	[sflag:s23] =	ssyncset.done $0x0  }
0xa5: {  	s25 =	simm.s32 $0x1B8E;
	s24 =	sld [smem:$0x3FFE];
	[sflag:s23] =	ssyncadd.s32 $0xFFFFFFFF  }
0xa6: {  	s26 =	simm.s32 $execute0_lowered;
	[smem:$0x3FD2] =	sst s25  }
0xa7: {  	s6 =	sshll.u32 s26, $0x1;
	_ =	strace $0x80000046;
	[dreg:$0x1] =	wrdreg $0xFFFFFFFF  }
0xa8: {  	s28 =	simm.s32 $_size_execute0_lowered;
	s4 =	sadd.s32 s4, s6;
	[dreg:$0x0] =	wrdreg $0x0  }
0xa9: {  	s6 =	sshll.u32 s28, $0x1;
	[dreg:$0x2] =	wrdreg s4  }
0xaa: {  	[dreg:$0x3] =	wrdreg s6  }
0xab: {  	[dreg:$0x4] =	wrdreg $0xC0  }
0xac: {  	_ =	task [dreg:s8], $0x5FFFF  }
0xad: {  	[dreg:$0x1] =	wrdreg $0xFFFFFFFF  }
0xae: {  	[dreg:$0x0] =	wrdreg $0x60  }
0xaf: {  	[dreg:$0x2] =	wrdreg s18  }
0xb0: {  	[dreg:$0x3] =	wrdreg s2  }
0xb1: {  	[dreg:$0x4] =	wrdreg s24  }
0xb2: {  	[dreg:$0x5] =	wrdreg $0x84000  }
0xb3: {  	[dreg:$0x6] =	wrdreg $0x9  }
0xb4: {  	_ =	task.clear_ibuf [dreg:s8], $0x7FFFF;
	_ =	strace $0x90000046  }
0xb5: {  	s29 =	simm.s32 $0x9;
	_ =	strace $0x80000048  }
0xb6: {  	_ =	swait.ge [sflag:s29], $0x1  }
0xb7: {  	[sflag:s29] =	ssyncadd.s32 $0xFFFFFFFF  }
0xb8: {  	_ =	strace $0x90000048  }
0xb9: {  	_ =	sfence  }
0xba: {  	s30 =	sld [smem:$0x0];
	_ =	sdelay $0x2  }
0xbb: {  	s31 =	sshll.u32 s1, $0xD;
	s1 =	sshrl.u32 s1, $0x2  }
0xbc: {  	s3 =	sand.u32 $0x4000, s31;
	s1 =	sadd.s32 s1, s30  }
0xbd: {  	s0 =	sor.u32 s3, s0;
	s1 =	sshll.u32 s1, $0x11  }
0xbe: {  	s0 =	sor.u32 s1, s0  }
0xbf: {  	s0 =	sadd.s32 $0x8F2B, s0  }
0xc0: {  	[sflag:s0] =	ssyncadd.remote.s32 $0x1  }
0xc1: {  	_ =	sfence.sel $0xFFFF  }
0xc2: {  	[dreg:$0x0] =	wrdreg $0xFFFFFFFF;
	(pc) =	sbr.abs _section_cstart, $3  }
0xc3: {  	[dreg:$0x1] =	wrdreg $0xFFFFFFFF  }
0xc4: {  	_ =	task.clear_ibuf [dreg:s8], $0x2FFFF;
	_ =	strace $0x9FFFFFFF  }
0xc5: {  	(tm) =	ssettm $0x7FFFFFFF  }
tec
execute0_lowered:
.L_overlay_start_1:
0x0: {  	(tag) =	ssettag $0x1  }
0x1: {  	s1 =	rddreg [dreg:$0x0]  }
0x2: {  	s0 =	rddreg [dreg:$0x1]  }
0x3: {  	s2 =	rddreg [dreg:$0x2]  }
0x4: {  	s3 =	rddreg [dreg:$0x3];
	s12 =	stileid.u32  }
0x5: {  	s4 =	srdreg.scid;
	s23 =	simm.s32 $0x400;
	s6 =	smul.u32 $0x14000, s12  }
0x6: {  	s29 =	simm.s32 $0x3;
	s30 =	simm.s32 $0x5;
	s10 =	smul.u32 $0x50000, s12  }
0x7: {  	s31 =	simm.s32 $0x4400;
	s7 =	sand.u32 $0x1, s4;
	s17 =	smul.u32 $0x4E, s12  }
0x8: {  	s28 =	simm.s32 $0x380;
	s4 =	simm.s32 $0x0;
	s5 =	smul.u32 $0x140000, s7  }
0x9: {  	s8 =	sshll.u32 s7, $0x4;
	[smem:$0x7FF] =	sst s4;
	s9 =	ssub.s32 $0x2, s7  }
0xa: {  	s7 =	smul.u32 $0x4E0, s7;
	s8 =	sor.u32 s12, s8;
	_ =	strace $0x80000047  }
0xb: {  	s25 =	sshrl.u32 s9, $0x1;
	s26 =	sshrl.u32 s10, $0x2;
	s5 =	sadd.s32 s6, s5  }
0xc: {  	s24 =	smul.u32 $0x4E, s8;
	s18 =	smin.u32 s8, $0x4;
	s6 =	sadd.s32 s26, s3  }
0xd: {  	s9 =	ssub.s32 s9, s25;
	p0 =	sgt.u32 s8, $0x3;
	s10 =	sadd.s32 $0x4000, s6  }
0xe: {  	s7 =	sadd.s32 s17, s7;
	s13 =	sadd.s32 $0x8000, s6;
	[dreg:$0x5] =	wrdreg s10  }
0xf: {  	s5 =	sshrl.u32 s5, $0x3;
	s14 =	sadd.s32 $0xC000, s6;
	[dreg:$0x6] =	wrdreg s13  }
0x10: {  	s16 =	sadd.s32 $0x10000, s6;
	s25 =	sadd.s32 s18, s7;
	[dreg:$0x7] =	wrdreg s14  }
0x11: {  	s26 =	smax.u32 s9, $0x1;
	s2 =	sadd.s32 s5, s2;
	[dreg:$0x8] =	wrdreg s16  }
0x12: {  	s11 =	sadd.s32 s18, s24;
	s5 =	simm.s32 $0x4E;
	[dreg:$0xd] =	wrdreg s26  }
0x13: {  	s24 =	simm.s32 $0x7;
	s26 =	simm.s32 $0x2;
	s15 =	sshll.u32 s11, $0x5  }
0x14: {  	s5 =	simm.s32 @!p0 $0x4F;
	s2 =	sadd.s32 $0xE00, s2;
	s11 =	sadd.s32 s0, s15  }
0x15: {  	s22 =	sand.u32 $0x1, s5;
	s15 =	sadd.s32 $0xFFFFFFFE, s5;
	s16 =	sadd.s32 $0xFFFFFFFD, s5  }
0x16: {  	[dreg:$0xc] =	wrdreg s2;
	s2 =	sshll.u32 s25, $0x5;
	s19 =	sadd.s32 $0x20, s11  }
.Ltmp0:
0x17: {  	s20 =	sadd.s32 $0x40, s11;
	[dreg:$0x9] =	wrdreg s19;
	(pc) =	sbr.rel .LBB2_1-.Ltmp0, $4  }
0x18: {  	s21 =	sadd.s32 $0x60, s11;
	s0 =	sadd.s32 s0, s2;
	[dreg:$0xa] =	wrdreg s20  }
0x19: {  	s2 =	simm.s32 $0x180;
	[dreg:$0xb] =	wrdreg s21;
	s19 =	simm.s32 $0x80  }
0x1a: {  	s20 =	simm.s32 $0x80;
	s9 =	sadd.s32 $0x80, s0;
	s8 =	sadd.s32 $0xA0, s0  }
0x1b: {  	v0 =	vimm.f32 $0.0e+00;
	s0 =	simm.s32 $0x1;
	s19 =	simm.s32 @!p0 $0x180;
	p0 =	seq.s32 s22, $0x0  }
.LBB2_7:
0x1c: {  	s7 =	simm.s32 @!p0 $0x1  }
0x1d: {  	_ =	swait.ge @!p0 [sflag:s7], $0x4000  }
0x1e: {  	[sflag:s7] =	ssyncset.done @!p0 $0x0  }
0x1f: {  	s10 =	simm.s32 @!p0 $0x400;
	[sflag:s7] =	ssyncadd.s32 @!p0 $0xFFFFC000;
	s7 =	simm.s32 @!p0 $0x80  }
0x20: {  	[spmem:s3] =	stream.indirect.scatter.add.f32 @!p0 [tilespmem:s10], [sflag:$0x7], $0x80, s19, s7, $0xb8;
	[tilespmem:$0x1C400] =	vst v63  }
0x21: {  	s7 =	simm.s32 @!p0 $0x7  }
0x22: {  	_ =	swait.ge @!p0 [sflag:s7], $0x4000  }
0x23: {  	[sflag:s7] =	ssyncset.done @!p0 $0x0  }
0x24: {  	s21 =	stileid.u32;
	[sflag:s7] =	ssyncadd.s32 @!p0 $0xFFFFC000  }
0x25: {  	s7 =	sshll.u32 s21, $0x6;
	[bflag:$0x0] =	sbarrier.arrive $0xFFFF  }
0x26: {  	s22 =	sshrl.u32 s6, $0x3;
	s7 =	sor.u32 $0x1C07, s7;
	s12 =	rddreg [dreg:$0xc]  }
0x27: {  	[hbm:s12], [sflag:s7] =	dma.local [spmem:s22], $0x2800  }
0x28: {  	_ =	swait.ge [sflag:s24], $0x2800  }
0x29: {  	s4 =	sadd.s32 $0x1, s4;
	s25 =	rddreg [dreg:$0xd]  }
0x2a: {  	p1 =	sne.s32 s4, s25  }
.Ltmp1:
0x2b: {  	_ = 	snop;
	(pc) =	sbr.rel @!p1 .LBB2_8-.Ltmp1, $3  }
0x2c: {  	_ =	sdelay $0x1  }
0x2d: {  	[sflag:s24] =	ssyncset.done $0x0  }
0x2e: {  	[sflag:s24] =	ssyncadd.s32 $0xFFFFD800  }
.LBB2_1:
0x2f: {  	s7 =	simm.s32 $0x0;
	s10 =	simm.s32 $0x200  }
.LBB2_2:
0x30: {  	p1 =	sne.s32 s10, $0xFE00;
	[tilespmem:s7+$0x470] =	vst v0  }
0x31: {  	[tilespmem:s7+$0x400] =	vst v0  }
0x32: {  	[tilespmem:s7+$0x410] =	vst v0  }
.Ltmp2:
0x33: {  	[tilespmem:s7+$0x420] =	vst v0;
	(pc) =	sbr.rel @p1 .LBB2_2-.Ltmp2, $4  }
0x34: {  	[tilespmem:s7+$0x430] =	vst v0  }
0x35: {  	[tilespmem:s7+$0x440] =	vst v0  }
0x36: {  	[tilespmem:s7+$0x450] =	vst v0  }
0x37: {  	[tilespmem:s7+$0x460] =	vst v0;
	s7 =	sshra.s32 s10, $0x2;
	s10 =	sadd.s32 $0x200, s10  }
0x38: {  	[tilespmem:s7+$0x470] =	vst v0  }
0x39: {  	[tilespmem:s7+$0x400] =	vst v0  }
0x3a: {  	[tilespmem:s7+$0x410] =	vst v0  }
0x3b: {  	[tilespmem:s7+$0x420] =	vst v0  }
0x3c: {  	[tilespmem:s7+$0x430] =	vst v0  }
0x3d: {  	[tilespmem:s7+$0x440] =	vst v0  }
0x3e: {  	[tilespmem:s7+$0x450] =	vst v0  }
0x3f: {  	[tilespmem:s7+$0x460] =	vst v0  }
0x40: {  	[spmem:s6] =	stream.linear.scatter [tilespmem:s23], [sflag:$0x7], $0x4000, $0x38;
	[tilespmem:$0x1C400] =	vst v63  }
0x41: {  	_ =	swait.ge [sflag:s24], $0x4000  }
0x42: {  	[sflag:s24] =	ssyncset.done $0x0  }
0x43: {  	s13 =	rddreg [dreg:$0x5];
	[sflag:s24] =	ssyncadd.s32 $0xFFFFC000  }
0x44: {  	[spmem:s13] =	stream.linear.scatter [tilespmem:s23], [sflag:$0x7], $0x4000, $0x38;
	[tilespmem:$0x1C400] =	vst v63  }
0x45: {  	_ =	swait.ge [sflag:s24], $0x4000  }
0x46: {  	[sflag:s24] =	ssyncset.done $0x0  }
0x47: {  	s14 =	rddreg [dreg:$0x6];
	[sflag:s24] =	ssyncadd.s32 $0xFFFFC000  }
0x48: {  	[spmem:s14] =	stream.linear.scatter [tilespmem:s23], [sflag:$0x7], $0x4000, $0x38;
	[tilespmem:$0x1C400] =	vst v63  }
0x49: {  	_ =	swait.ge [sflag:s24], $0x4000  }
0x4a: {  	[sflag:s24] =	ssyncset.done $0x0  }
0x4b: {  	s17 =	rddreg [dreg:$0x7];
	[sflag:s24] =	ssyncadd.s32 $0xFFFFC000  }
0x4c: {  	[spmem:s17] =	stream.linear.scatter [tilespmem:s23], [sflag:$0x7], $0x4000, $0x38;
	[tilespmem:$0x1C400] =	vst v63  }
0x4d: {  	_ =	swait.ge [sflag:s24], $0x4000  }
0x4e: {  	[sflag:s24] =	ssyncset.done $0x0  }
0x4f: {  	s18 =	rddreg [dreg:$0x8];
	[sflag:s24] =	ssyncadd.s32 $0xFFFFC000  }
0x50: {  	[spmem:s18] =	stream.linear.scatter [tilespmem:s23], [sflag:$0x7], $0x4000, $0x38;
	[tilespmem:$0x1C400] =	vst v63  }
0x51: {  	_ =	swait.ge [sflag:s24], $0x4000  }
0x52: {  	[sflag:s24] =	ssyncset.done $0x0  }
0x53: {  	[sflag:s24] =	ssyncadd.s32 $0xFFFFC000  }
0x54: {  	s7 =	simm.s32 $0x0;
	[bflag:$0x0] =	sbarrier.arrive $0xFFFF  }
0x55: {  	[tilespmem:s7], [sflag:$0x3] =	stream.linear.gather [hbm4b:s11+s7], $0x100, $0x38;
	[tilespmem:$0x1C400] =	vst v63  }
0x56: {  	s12 =	simm.s32 $0x200;
	s10 =	rddreg [dreg:$0x9]  }
0x57: {  	[tilespmem:s12], [sflag:$0x5] =	stream.linear.gather [hbm4b:s10+s7], $0x100, $0x38;
	[tilespmem:$0x1C400] =	vst v63  }
0x58: {  	s13 =	simm.s32 $0x100;
	s21 =	rddreg [dreg:$0xa]  }
0x59: {  	[tilespmem:s13], [sflag:$0x4] =	stream.linear.gather [hbm4b:s21+s7], $0x100, $0x38;
	[tilespmem:$0x1C400] =	vst v63  }
0x5a: {  	s25 =	simm.s32 $0x300;
	s22 =	rddreg [dreg:$0xb]  }
0x5b: {  	[tilespmem:s25], [sflag:$0x6] =	stream.linear.gather [hbm4b:s22+s7], $0x100, $0x38;
	[tilespmem:$0x1C400] =	vst v63  }
0x5c: {  	_ =	swait.ge [sflag:s29], $0x100  }
0x5d: {  	[sflag:s29] =	ssyncset.done $0x0  }
0x5e: {  	[sflag:s29] =	ssyncadd.s32 $0xFFFFFF00  }
0x5f: {  	[tilespmem:s23], [sflag:$0x1] =	stream.indirect.gather [hbm4b:s1+s20], $0x80, s7, s20, $0xb8;
	[tilespmem:$0x1C400] =	vst v63  }
.Ltmp3:
0x60: {  	_ = 	snop;
	(pc) =	sbr.rel .LBB2_4-.Ltmp3, $4  }
0x61: {  	_ =	swait.ge [sflag:s30], $0x100  }
0x62: {  	s10 =	simm.s32 $0x0;
	[sflag:s30] =	ssyncset.done $0x0  }
0x63: {  	s21 =	smov.u32 s9;
	s22 =	smov.u32 s8;
	[sflag:s30] =	ssyncadd.s32 $0xFFFFFF00  }
0x64: {  	[tilespmem:s31], [sflag:$0x2] =	stream.indirect.gather [hbm4b:s1+s20], $0x80, s12, s20, $0xb8;
	[tilespmem:$0x1C400] =	vst v63  }
.LBB2_6:
0x65: {  	s10 =	sadd.s32 $0x1, s10  }
0x66: {  	p1 =	sne.s32 s10, $0x27  }
.Ltmp4:
0x67: {  	_ = 	snop;
	(pc) =	sbr.rel @!p1 .LBB2_7-.Ltmp4, $2  }
0x68: {  	_ =	sdelay $0x2  }
0x69: {  	s21 =	sadd.s32 $0x40, s21;
	s7 =	sadd.s32 $0x2, s7;
	s22 =	sadd.s32 $0x40, s22  }
.LBB2_4:
0x6a: {  	s12 =	sand.u32 $0x1, s10  }
0x6b: {  	p1 =	seq.s32 s12, $0x1  }
0x6c: {  	s13 =	simm.s32 @!p1 $0x1  }
0x6d: {  	_ =	swait.ge @!p1 [sflag:s13], $0x4000  }
0x6e: {  	[sflag:s13] =	ssyncset.done @!p1 $0x0  }
0x6f: {  	s14 =	simm.s32 @!p1 $0x400;
	[sflag:s13] =	ssyncadd.s32 @!p1 $0xFFFFC000;
	s13 =	simm.s32 @!p1 $0x80  }
0x70: {  	[spmem:s3] =	stream.indirect.scatter.add.f32 @!p1 [tilespmem:s14], [sflag:$0x7], $0x80, s13, s13, $0xb8;
	[tilespmem:$0x1C400] =	vst v63  }
0x71: {  	s17 =	sadd.s32 @!p1 $0x4, s7;
	s14 =	simm.s32 @!p1 $0x7  }
0x72: {  	p2 =	sge.u32 @!p1 s17, s5;
	_ =	swait.ge @!p1 [sflag:s14], $0x4000  }
0x73: {  	p2 =	por p2, p1;
	[sflag:s14] =	ssyncset.done @!p1 $0x0  }
0x74: {  	s17 =	simm.s32 @!p2 $0x0;
	[sflag:s14] =	ssyncadd.s32 @!p1 $0xFFFFC000  }
0x75: {  	[tilespmem:s17], [sflag:$0x3] =	stream.linear.gather @!p2 [hbm4b:s21+s17], $0x100, $0x38;
	[tilespmem:$0x1C400] =	vst v63  }
0x76: {  	p2 =	sge.u32 @!p1 s7, s15  }
0x77: {  	p2 =	por p2, p1  }
0x78: {  	s17 =	simm.s32 @!p2 $0x4  }
0x79: {  	_ =	swait.ge @!p2 [sflag:s17], $0x100  }
0x7a: {  	s18 =	simm.s32 @!p2 $0x100;
	[sflag:s17] =	ssyncset.done @!p2 $0x0  }
0x7b: {  	s25 =	simm.s32 @!p2 $0x400;
	[sflag:s17] =	ssyncadd.s32 @!p2 $0xFFFFFF00;
	s17 =	simm.s32 @!p2 $0x80  }
0x7c: {  	[tilespmem:s25], [sflag:$0x1] =	stream.indirect.gather @!p2 [hbm4b:s1+s17], $0x80, s18, s17, $0xb8;
	[tilespmem:$0x1C400] =	vst v63  }
0x7d: {  	s17 =	simm.s32 @!p1 $0x2  }
0x7e: {  	_ =	swait.ge @!p1 [sflag:s17], $0x4000  }
0x7f: {  	[sflag:s17] =	ssyncset.done @!p1 $0x0  }
0x80: {  	s18 =	simm.s32 @!p1 $0x4400;
	[sflag:s17] =	ssyncadd.s32 @!p1 $0xFFFFC000;
	s17 =	simm.s32 @!p1 $0x280  }
0x81: {  	[spmem:s3] =	stream.indirect.scatter.add.f32 @!p1 [tilespmem:s18], [sflag:$0x7], $0x80, s17, s13, $0xb8;
	[tilespmem:$0x1C400] =	vst v63  }
0x82: {  	s13 =	sadd.s32 @!p1 $0x5, s7  }
0x83: {  	_ =	swait.ge @!p1 [sflag:s14], $0x4000;
	p2 =	sge.u32 @!p1 s13, s5  }
0x84: {  	[sflag:s14] =	ssyncset.done @!p1 $0x0;
	p2 =	por p2, p1  }
0x85: {  	[sflag:s14] =	ssyncadd.s32 @!p1 $0xFFFFC000;
	s13 =	simm.s32 @!p2 $0x0;
	s14 =	simm.s32 @!p2 $0x200  }
0x86: {  	[tilespmem:s14], [sflag:$0x5] =	stream.linear.gather @!p2 [hbm4b:s22+s13], $0x100, $0x38;
	[tilespmem:$0x1C400] =	vst v63  }
0x87: {  	p2 =	sge.u32 @!p1 s7, s16  }
0x88: {  	p2 =	por p2, p1  }
0x89: {  	s13 =	simm.s32 @!p2 $0x6  }
0x8a: {  	_ =	swait.ge @!p2 [sflag:s13], $0x100  }
0x8b: {  	s14 =	simm.s32 @!p2 $0x300;
	[sflag:s13] =	ssyncset.done @!p2 $0x0  }
0x8c: {  	s17 =	simm.s32 @!p2 $0x4400;
	[sflag:s13] =	ssyncadd.s32 @!p2 $0xFFFFFF00;
	s13 =	simm.s32 @!p2 $0x80  }
0x8d: {  	[tilespmem:s17], [sflag:$0x2] =	stream.indirect.gather @!p2 [hbm4b:s1+s13], $0x80, s14, s13, $0xb8;
	[tilespmem:$0x1C400] =	vst v63  }
0x8e: {  	p2 =	seq.s32 @!p1 s12, $0x0  }
0x8f: {  	p1 =	por p1, !p2  }
.Ltmp5:
0x90: {  	_ = 	snop;
	(pc) =	sbr.rel @!p1 .LBB2_6-.Ltmp5, $1  }
0x91: {  	_ =	sdelay $0x3  }
0x92: {  	_ =	swait.ge [sflag:s0], $0x4000  }
0x93: {  	[sflag:s0] =	ssyncset.done $0x0  }
0x94: {  	[sflag:s0] =	ssyncadd.s32 $0xFFFFC000  }
0x95: {  	[spmem:s3] =	stream.indirect.scatter.add.f32 [tilespmem:s23], [sflag:$0x7], $0x80, s2, s20, $0xb8;
	[tilespmem:$0x1C400] =	vst v63  }
0x96: {  	s12 =	sadd.s32 $0x4, s7;
	_ =	swait.ge [sflag:s24], $0x4000  }
0x97: {  	p1 =	sge.u32 s12, s5;
	[sflag:s24] =	ssyncset.done $0x0  }
0x98: {  	s12 =	simm.s32 @!p1 $0x0;
	s13 =	simm.s32 @!p1 $0x100;
	[sflag:s24] =	ssyncadd.s32 $0xFFFFC000  }
0x99: {  	[tilespmem:s13], [sflag:$0x4] =	stream.linear.gather @!p1 [hbm4b:s21+s12], $0x100, $0x38;
	[tilespmem:$0x1C400] =	vst v63  }
0x9a: {  	p1 =	sge.u32 s7, s15  }
0x9b: {  	s12 =	simm.s32 @!p1 $0x3  }
0x9c: {  	_ =	swait.ge @!p1 [sflag:s12], $0x100  }
0x9d: {  	s13 =	simm.s32 @!p1 $0x0;
	[sflag:s12] =	ssyncset.done @!p1 $0x0  }
0x9e: {  	s14 =	simm.s32 @!p1 $0x400;
	[sflag:s12] =	ssyncadd.s32 @!p1 $0xFFFFFF00;
	s12 =	simm.s32 @!p1 $0x80  }
0x9f: {  	[tilespmem:s14], [sflag:$0x1] =	stream.indirect.gather @!p1 [hbm4b:s1+s12], $0x80, s13, s12, $0xb8;
	[tilespmem:$0x1C400] =	vst v63  }
0xa0: {  	_ =	swait.ge [sflag:s26], $0x4000  }
0xa1: {  	[sflag:s26] =	ssyncset.done $0x0  }
0xa2: {  	[sflag:s26] =	ssyncadd.s32 $0xFFFFC000  }
0xa3: {  	[spmem:s3] =	stream.indirect.scatter.add.f32 [tilespmem:s31], [sflag:$0x7], $0x80, s28, s20, $0xb8;
	[tilespmem:$0x1C400] =	vst v63  }
0xa4: {  	s25 =	sadd.s32 $0x5, s7;
	_ =	swait.ge [sflag:s24], $0x4000  }
0xa5: {  	p1 =	sge.u32 s25, s5;
	[sflag:s24] =	ssyncset.done $0x0  }
0xa6: {  	s12 =	simm.s32 @!p1 $0x0;
	s13 =	simm.s32 @!p1 $0x300;
	[sflag:s24] =	ssyncadd.s32 $0xFFFFC000  }
0xa7: {  	[tilespmem:s13], [sflag:$0x6] =	stream.linear.gather @!p1 [hbm4b:s22+s12], $0x100, $0x38;
	[tilespmem:$0x1C400] =	vst v63  }
0xa8: {  	p1 =	sge.u32 s7, s16  }
.Ltmp6:
0xa9: {  	s12 =	simm.s32 @!p1 $0x5;
	(pc) =	sbr.rel .LBB2_6-.Ltmp6, $4  }
0xaa: {  	_ =	swait.ge @!p1 [sflag:s12], $0x100  }
0xab: {  	s13 =	simm.s32 @!p1 $0x200;
	[sflag:s12] =	ssyncset.done @!p1 $0x0  }
0xac: {  	s14 =	simm.s32 @!p1 $0x4400;
	[sflag:s12] =	ssyncadd.s32 @!p1 $0xFFFFFF00;
	s12 =	simm.s32 @!p1 $0x80  }
0xad: {  	[tilespmem:s14], [sflag:$0x2] =	stream.indirect.gather @!p1 [hbm4b:s1+s12], $0x80, s13, s12, $0xb8;
	[tilespmem:$0x1C400] =	vst v63  }
.LBB2_8:
0xae: {  	_ =	sfence.sel $0x180000  }
0xaf: {  	[bflag:$0x0] =	sbarrier.arrive $0xFFFF  }
0xb0: {  	_ =	strace $0x90000047  }
0xb1: {  	s0 =	stileid.u32;
	[bflag:$0x2] =	sbarrier.arrive $0xFFFF  }
0xb2: {  	p0 =	sne.s32 s0, $0x0;
	s0 =	rddreg [dreg:$0x4]  }
0xb3: {  	s0 =	sadd.s32 @!p0 $0x100000, s0  }
0xb4: {  	[sflag:s0] =	ssyncadd.tile.s32 @!p0 $0x1;
	_ =	shalt  }
.Lfunc_end2:
_tile_overlayer_lowered:
.L_overlay_start_2:
0xb5: {  	(tag) =	ssettag $0x2  }
0xb6: {  	s0 =	rddreg [dreg:$0x0];
	s2 =	stileid.u32  }
0xb7: {  	s1 =	rddreg [dreg:$0x1];
	p0 =	sne.s32 s2, $0x0  }
0xb8: {  	s3 =	rddreg [dreg:$0x2];
	[bflag:$0x3] =	sbarrier.arrive $0xFFFF;
	s2 =	simm.s32 @!p0 $0x1C07  }
0xb9: {  	[timem:s3], [sflag:s2] =	dma.local @!p0 [hbm:s0], s1  }
0xba: {  	s0 =	simm.s32 @!p0 $0x7  }
0xbb: {  	_ =	swait.ge @!p0 [sflag:s0], s1  }
0xbc: {  	s1 =	ssub.s32 @!p0 $0x0, s1;
	[sflag:s0] =	ssyncset.done @!p0 $0x0  }
0xbd: {  	[sflag:s0] =	ssyncadd.s32 @!p0 s1  }
0xbe: {  	[bflag:$0x3] =	sbarrier.arrive $0xFFFF  }
0xbf: {  	_ =	shalt  }

</sc_bundles>
